<compile_context>
chip_gen: v7x
topology: tpu7x:2x2x1
jax: 0.10.2.dev20260603
libtpu: 0.0.44.dev20260713+nightly
codegen_flags: <defaults>
</compile_context>

<pallas_src>
import functools

import jax
import jax.numpy as jnp
from jax import lax
from jax.experimental import pallas as pl
from jax.experimental.pallas import tpu as pltpu
from jax.experimental.pallas import tpu_sc as plsc

D = 128
H = 128
TOP_K = 8
B = 1024
QL = 16
N_DOCS = 100000
DL = 4
BN = 1000
NBLK = N_DOCS // BN
LN_EPS = 1e-5
NEG = float("-inf")
CAP = 64
BNF = 2000
NBLKF = N_DOCS // BNF

SC_CORES = 2
SC_SUBCORES = 16
SC_WORKERS = SC_CORES * SC_SUBCORES
ROWS_TOTAL = B * TOP_K
ROWS_PER_W = ROWS_TOTAL // SC_WORKERS
ROW_CHUNK = 64


def _layer_norm(x, g, b):
    m = jnp.mean(x, axis=-1, keepdims=True)
    v = jnp.mean((x - m) * (x - m), axis=-1, keepdims=True)
    return (x - m) / jnp.sqrt(v + LN_EPS) * g + b


def _l2_normalize(x):
    n = jnp.sqrt(jnp.sum(x * x, axis=-1, keepdims=True))
    return x / jnp.maximum(n, 1e-12)


def _encode_project(x, W1, b1, W2, b2, g, beta, Wp, bp):
    h = jnp.maximum(jnp.dot(x, W1, preferred_element_type=jnp.float32) + b1, 0.0)
    h = jnp.dot(h, W2, preferred_element_type=jnp.float32) + b2
    h = _layer_norm(h, g, beta)
    p = jnp.dot(h, Wp, preferred_element_type=jnp.float32) + bp
    return _l2_normalize(p)


def _q_body(qe_ref, W1_ref, b1_ref, W2_ref, b2_ref, g_ref, beta_ref,
            Wp_ref, bp_ref, out_ref):
    qe = qe_ref[...]
    q = qe[:, 0, :]
    for i in range(1, QL):
        q = q + qe[:, i, :]
    q = q * (1.0 / QL)
    out_ref[...] = _encode_project(
        q, W1_ref[...], b1_ref[...], W2_ref[...], b2_ref[...],
        g_ref[...], beta_ref[...], Wp_ref[...], bp_ref[...])


def _main_body(doc_ref, qn_ref, W1_ref, b1_ref, W2_ref, b2_ref, g_ref,
               beta_ref, Wp_ref, bp_ref, t_ref,
               s_out, i_out, f_out, dn_out, M1, A1, M2):
    pid = pl.program_id(0)

    @pl.when(pid == 0)
    def _init():
        M1[...] = jnp.full((B, BN), NEG, jnp.float32)
        A1[...] = jnp.zeros((B, BN), jnp.int32)
        M2[...] = jnp.full((B, BN), NEG, jnp.float32)

    d3 = doc_ref[...]
    d = (d3[:, 0, :] + d3[:, 1, :] + d3[:, 2, :] + d3[:, 3, :]) * 0.25
    dn = _encode_project(
        d, W1_ref[...], b1_ref[...], W2_ref[...], b2_ref[...],
        g_ref[...], beta_ref[...], Wp_ref[...], bp_ref[...])
    dn_out[...] = dn
    s = lax.dot_general(qn_ref[...], dn, (((1,), (1,)), ((), ())),
                        preferred_element_type=jnp.float32)
    s = s / t_ref[0, 0]

    m1, a1, m2 = M1[...], A1[...], M2[...]
    gt1 = s > m1
    demo = jnp.where(gt1, m1, s)
    M1[...] = jnp.where(gt1, s, m1)
    A1[...] = jnp.where(gt1, pid, a1)
    M2[...] = jnp.where(demo > m2, demo, m2)

    @pl.when(pid == NBLK - 1)
    def _final():
        col = lax.broadcasted_iota(jnp.int32, (B, BN), 1)
        vs, gs, fs = [], [], []
        for _ in range(TOP_K):
            x1 = M1[...]
            x2 = M2[...]
            ma = jnp.max(x1, axis=1, keepdims=True)
            mb = jnp.max(x2, axis=1, keepdims=True)
            from1 = ma >= mb
            m = jnp.where(from1, ma, mb)
            c1 = jnp.min(jnp.where(x1 == ma, col, BN), axis=1, keepdims=True)
            c2 = jnp.min(jnp.where(x2 == mb, col, BN), axis=1, keepdims=True)
            blk = jnp.sum(jnp.where(col == c1, A1[...], 0), axis=1,
                          keepdims=True)
            vs.append(m)
            gs.append(jnp.where(from1, blk * BN + c1, c2))
            fs.append(jnp.logical_not(from1))
            M1[...] = jnp.where((col == c1) & from1, NEG, x1)
            M2[...] = jnp.where((col == c2) & jnp.logical_not(from1), NEG, x2)
        flag = fs[0]
        for f in fs[1:]:
            flag = jnp.logical_or(flag, f)
        s_out[...] = jnp.concatenate(vs, axis=1)
        i_out[...] = jnp.concatenate(gs, axis=1)
        f_out[...] = flag.astype(jnp.int32)


def _fb_body(dn_ref, qn_ref, flag_ref, ms_ref, mi_ref, t_ref,
             s_out, i_out, qsel, slotv, fbs, fbi):
    pid = pl.program_id(0)

    @pl.when(pid == 0)
    def _init():
        flags = flag_ref[...].astype(jnp.float32)
        tri = (lax.broadcasted_iota(jnp.int32, (B, B), 1)
               <= lax.broadcasted_iota(jnp.int32, (B, B), 0)).astype(jnp.float32)
        rank = jnp.dot(tri, flags, preferred_element_type=jnp.float32,
                       precision=lax.Precision.HIGHEST)
        slot = (rank - 1.0).astype(jnp.int32)
        slotv[...] = slot
        flagged = flag_ref[...] > 0
        krow = lax.broadcasted_iota(jnp.int32, (CAP, B), 0)
        hit = (jnp.reshape(slot, (1, B)) == krow) & jnp.reshape(flagged, (1, B))
        onehot = jnp.where(hit, 1.0, 0.0)
        qsel[...] = jnp.dot(onehot, qn_ref[...],
                            preferred_element_type=jnp.float32,
                            precision=lax.Precision.HIGHEST)
        fbs[...] = jnp.full((CAP, TOP_K), NEG, jnp.float32)
        fbi[...] = jnp.zeros((CAP, TOP_K), jnp.int32)

    s = lax.dot_general(qsel[...], dn_ref[...], (((1,), (1,)), ((), ())),
                        preferred_element_type=jnp.float32)
    s = s / t_ref[0, 0]
    col = lax.broadcasted_iota(jnp.int32, (CAP, BNF), 1)
    bs, bi = [], []
    for _ in range(TOP_K):
        m = jnp.max(s, axis=1, keepdims=True)
        c = jnp.min(jnp.where(s == m, col, BNF), axis=1, keepdims=True)
        bs.append(m)
        bi.append(c + pid * BNF)
        s = jnp.where(col == c, NEG, s)
    s2 = jnp.concatenate([fbs[...]] + bs, axis=1)
    i2 = jnp.concatenate([fbi[...]] + bi, axis=1)
    col2 = lax.broadcasted_iota(jnp.int32, (CAP, 2 * TOP_K), 1)
    ns, ni = [], []
    for _ in range(TOP_K):
        m = jnp.max(s2, axis=1, keepdims=True)
        c = jnp.min(jnp.where(s2 == m, col2, 2 * TOP_K), axis=1, keepdims=True)
        ni.append(jnp.sum(jnp.where(col2 == c, i2, 0), axis=1, keepdims=True))
        ns.append(m)
        s2 = jnp.where(col2 == c, NEG, s2)
    fbs[...] = jnp.concatenate(ns, axis=1)
    fbi[...] = jnp.concatenate(ni, axis=1)

    @pl.when(pid == NBLKF - 1)
    def _scatter():
        flagged = flag_ref[...] > 0
        sl = slotv[...]
        kcol = lax.broadcasted_iota(jnp.int32, (B, CAP), 1)
        hitT = ((sl == kcol) & flagged).astype(jnp.float32)
        patch_s = jnp.dot(hitT, fbs[...], preferred_element_type=jnp.float32,
                          precision=lax.Precision.HIGHEST)
        patch_i = jnp.dot(hitT, fbi[...].astype(jnp.float32),
                          preferred_element_type=jnp.float32,
                          precision=lax.Precision.HIGHEST).astype(jnp.int32)
        use = flagged & (sl < CAP)
        s_out[...] = jnp.where(use, patch_s, ms_ref[...])
        i_out[...] = jnp.where(use, patch_i, mi_ref[...])


def _topk_scores(query_embeddings, doc_embeddings, Wq1, bq1, Wq2, bq2, gq,
                 betaq, Wd1, bd1, Wd2, bd2, gd, betad, Wp, bp, temperature):
    r = lambda v: v.reshape(1, H)
    qn = pl.pallas_call(
        _q_body,
        out_shape=jax.ShapeDtypeStruct((B, H), jnp.float32),
    )(query_embeddings, Wq1, r(bq1), Wq2, r(bq2), r(gq), r(betaq), Wp, r(bp))

    const = lambda i: (0, 0)
    w_spec = pl.BlockSpec((D, H), const)
    v_spec = pl.BlockSpec((1, H), const)
    tv = temperature.reshape(1, 1)
    main_s, main_i, flags, dnorm = pl.pallas_call(
        _main_body,
        grid=(NBLK,),
        in_specs=[
            pl.BlockSpec((BN, DL, D), lambda i: (i, 0, 0)),
            pl.BlockSpec((B, H), const),
            w_spec, v_spec, w_spec, v_spec, v_spec, v_spec, w_spec, v_spec,
            pl.BlockSpec((1, 1), const),
        ],
        out_specs=[
            pl.BlockSpec((B, TOP_K), const),
            pl.BlockSpec((B, TOP_K), const),
            pl.BlockSpec((B, 1), const),
            pl.BlockSpec((BN, H), lambda i: (i, 0)),
        ],
        out_shape=[
            jax.ShapeDtypeStruct((B, TOP_K), jnp.float32),
            jax.ShapeDtypeStruct((B, TOP_K), jnp.int32),
            jax.ShapeDtypeStruct((B, 1), jnp.int32),
            jax.ShapeDtypeStruct((N_DOCS, H), jnp.float32),
        ],
        scratch_shapes=[
            pltpu.VMEM((B, BN), jnp.float32),
            pltpu.VMEM((B, BN), jnp.int32),
            pltpu.VMEM((B, BN), jnp.float32),
        ],
        compiler_params=pltpu.CompilerParams(
            dimension_semantics=("arbitrary",),
            vmem_limit_bytes=100 * 1024 * 1024),
    )(doc_embeddings, qn, Wd1, r(bd1), Wd2, r(bd2), r(gd), r(betad), Wp,
      r(bp), tv)

    top_s, top_i = pl.pallas_call(
        _fb_body,
        grid=(NBLKF,),
        in_specs=[
            pl.BlockSpec((BNF, H), lambda i: (i, 0)),
            pl.BlockSpec((B, H), const),
            pl.BlockSpec((B, 1), const),
            pl.BlockSpec((B, TOP_K), const),
            pl.BlockSpec((B, TOP_K), const),
            pl.BlockSpec((1, 1), const),
        ],
        out_specs=[
            pl.BlockSpec((B, TOP_K), const),
            pl.BlockSpec((B, TOP_K), const),
        ],
        out_shape=[
            jax.ShapeDtypeStruct((B, TOP_K), jnp.float32),
            jax.ShapeDtypeStruct((B, TOP_K), jnp.int32),
        ],
        scratch_shapes=[
            pltpu.VMEM((CAP, H), jnp.float32),
            pltpu.VMEM((B, 1), jnp.int32),
            pltpu.VMEM((CAP, TOP_K), jnp.float32),
            pltpu.VMEM((CAP, TOP_K), jnp.int32),
        ],
        compiler_params=pltpu.CompilerParams(
            dimension_semantics=("arbitrary",)),
    )(dnorm, qn, flags, main_s, main_i, tv)
    return top_s, top_i


def _gather_docs(doc_embeddings, idx_flat):
    mesh = plsc.VectorSubcoreMesh(core_axis_name="c", subcore_axis_name="s")

    @functools.partial(
        pl.kernel, mesh=mesh,
        out_type=jax.ShapeDtypeStruct((ROWS_TOTAL, DL, D), jnp.float32),
        scratch_types=[
            pltpu.VMEM((ROWS_PER_W,), jnp.int32),
            pltpu.VMEM((ROW_CHUNK, DL, D), jnp.float32),
            pltpu.SemaphoreType.DMA,
        ],
    )
    def k(table_hbm, idx_hbm, out_hbm, idx_v, rows_v, sem):
        wid = lax.axis_index("s") * SC_CORES + lax.axis_index("c")
        base = wid * ROWS_PER_W
        pltpu.sync_copy(idx_hbm.at[pl.ds(base, ROWS_PER_W)], idx_v)
        for c in range(ROWS_PER_W // ROW_CHUNK):
            pltpu.async_copy(
                table_hbm.at[idx_v.at[pl.ds(c * ROW_CHUNK, ROW_CHUNK)]],
                rows_v, sem).wait()
            pltpu.sync_copy(
                rows_v, out_hbm.at[pl.ds(base + c * ROW_CHUNK, ROW_CHUNK)])

    return k(doc_embeddings, idx_flat)


def kernel(query_embeddings, doc_embeddings, Wq1, bq1, Wq2, bq2, gq, betaq,
           Wd1, bd1, Wd2, bd2, gd, betad, Wp, bp, temperature):
    top_s, top_i = _topk_scores(
        query_embeddings, doc_embeddings, Wq1, bq1, Wq2, bq2, gq, betaq,
        Wd1, bd1, Wd2, bd2, gd, betad, Wp, bp, temperature)
    rows = _gather_docs(doc_embeddings, top_i.reshape(ROWS_TOTAL))
    return top_s, rows.reshape(B, TOP_K, DL, D)

# --- scband reference (transcript-rebuilt; emitter-appended) ---
"""Pipeline reference for scband-neural-retriever-46935402611173 (READ-ONLY COPY).

The authoritative reference and input builder live on the scoring server;
editing this copy changes nothing except your own understanding.
"""

import jax, jax.numpy as jnp
import numpy as np

D = 128
H = 128
TOP_K = 8
LN_EPS = 1e-5


def layer_norm(x, g, b):
    m = jnp.mean(x, axis=-1, keepdims=True)
    v = jnp.var(x, axis=-1, keepdims=True)
    return (x - m) / jnp.sqrt(v + LN_EPS) * g + b


def encode(x, W1, b1, W2, b2, g, beta):
    h = jax.nn.relu(x @ W1 + b1)
    h = h @ W2 + b2
    return layer_norm(h, g, beta)


def l2_normalize(x, eps=1e-12):
    n = jnp.linalg.norm(x, axis=-1, keepdims=True)
    return x / jnp.maximum(n, eps)


def setup_inputs(seed: int = 0) -> dict:
    key = jax.random.key(seed)
    ks = jax.random.split(key, 20)
    B, QL = 1024, 16
    N, DL = 100000, 4
    s_in = 1.0 / np.sqrt(D)
    s_h = 1.0 / np.sqrt(H)
    inp = {}
    inp['query_embeddings'] = jax.random.normal(ks[0], (B, QL, D), jnp.float32)
    inp['doc_embeddings'] = jax.random.normal(ks[1], (N, DL, D), jnp.float32)
    inp['Wq1'] = jax.random.uniform(ks[2], (D, H), jnp.float32, -s_in, s_in)
    inp['bq1'] = jax.random.uniform(ks[3], (H,), jnp.float32, -s_in, s_in)
    inp['Wq2'] = jax.random.uniform(ks[4], (H, H), jnp.float32, -s_h, s_h)
    inp['bq2'] = jax.random.uniform(ks[5], (H,), jnp.float32, -s_h, s_h)
    inp['gq'] = jnp.ones((H,), jnp.float32)
    inp['betaq'] = jnp.zeros((H,), jnp.float32)
    inp['Wd1'] = jax.random.uniform(ks[6], (D, H), jnp.float32, -s_in, s_in)
    inp['bd1'] = jax.random.uniform(ks[7], (H,), jnp.float32, -s_in, s_in)
    inp['Wd2'] = jax.random.uniform(ks[8], (H, H), jnp.float32, -s_h, s_h)
    inp['bd2'] = jax.random.uniform(ks[9], (H,), jnp.float32, -s_h, s_h)
    inp['gd'] = jnp.ones((H,), jnp.float32)
    inp['betad'] = jnp.zeros((H,), jnp.float32)
    inp['Wp'] = jax.random.uniform(ks[10], (H, H), jnp.float32, -s_h, s_h)
    inp['bp'] = jax.random.uniform(ks[11], (H,), jnp.float32, -s_h, s_h)
    inp['temperature'] = jnp.asarray(1.0, jnp.float32)
    return inp


def reference(query_embeddings, doc_embeddings, Wq1, bq1, Wq2, bq2, gq, betaq, Wd1, bd1, Wd2, bd2, gd, betad, Wp, bp, temperature):
    q = query_embeddings.mean(axis=1)
    d = doc_embeddings.mean(axis=1)
    q_repr = encode(q, Wq1, bq1, Wq2, bq2, gq, betaq)
    d_repr = encode(d, Wd1, bd1, Wd2, bd2, gd, betad)
    q_proj = q_repr @ Wp + bp
    d_proj = d_repr @ Wp + bp
    q_norm = l2_normalize(q_proj)
    d_norm = l2_normalize(d_proj)
    scores = (q_norm @ d_norm.T) / temperature
    top_k_scores, top_k_indices = jax.lax.top_k(scores, TOP_K)
    retrieved_docs = doc_embeddings[top_k_indices]
    return (top_k_scores, retrieved_docs)

if __name__ == "__main__":
    import jax
    _d = setup_inputs()
    print(jax.jit(kernel)(*tuple(_d.values())))

</pallas_src>

<mosaic_0001>
#map = affine_map<(d0, d1) -> (0, 0, 0)>
#map1 = affine_map<(d0, d1) -> (0)>
module attributes {stable_mosaic.version = 14 : i64} {
  func.func @k(%arg0: i32, %arg1: i32, %arg2: memref<100000x4x128xf32, #tpu.memory_space<hbm>>, %arg3: memref<8192xi32, #tpu.memory_space<hbm>>, %arg4: memref<8192x4x128xf32, #tpu.memory_space<hbm>>, %arg5: memref<256xi32, #tpu.memory_space<vmem>>, %arg6: memref<64x4x128xf32, #tpu.memory_space<vmem>>, %arg7: memref<!tpu.dma_semaphore, #tpu.memory_space<semaphore_mem>>) attributes {dimension_semantics = [#tpu.dimension_semantics<core_parallel>, #tpu.dimension_semantics<subcore_parallel>], iteration_bounds = array<i64: 2, 16>, scalar_prefetch = 0 : i64, scratch_operands = 3 : i64, tpu.core_type = #tpu.core_type<sc_vector_subcore>, window_params = [{transform_indices = #map}, {transform_indices = #map1}, {transform_indices = #map}]} {
    %mul3A = arith.constant 2 : i32
    %mul3A_0 = arith.muli %arg1, %mul3A : i32
    %add3A = arith.addi %mul3A_0, %arg0 : i32
    %mul3A_1 = arith.constant 256 : i32
    %mul3A_2 = arith.muli %add3A, %mul3A_1 : i32
    "tpu.region"() ({
      %run_scoped3A = tpu.sem_alloc : memref<!tpu.dma_semaphore, #tpu.memory_space<semaphore_mem>>
      %dma_start3A_57 = tpu.memref_slice %arg3[%mul3A_2] : memref<8192xi32, #tpu.memory_space<hbm>> -> memref<256xi32, #tpu.memory_space<hbm>>
      %dma_start3A_58 = tpu.memref_slice %arg3[%mul3A_2] : memref<8192xi32, #tpu.memory_space<hbm>> -> memref<256xi32, #tpu.memory_space<hbm>>
      tpu.enqueue_dma source(%dma_start3A_58 : memref<256xi32, #tpu.memory_space<hbm>>) target(%arg5 : memref<256xi32, #tpu.memory_space<vmem>>) target_semaphore(%run_scoped3A : memref<!tpu.dma_semaphore, #tpu.memory_space<semaphore_mem>>)
      %dma_wait3A_59 = tpu.memref_slice %arg3[%mul3A_2] : memref<8192xi32, #tpu.memory_space<hbm>> -> memref<256xi32, #tpu.memory_space<hbm>>
      %dma_wait3A_60 = tpu.memref_slice %arg3[%mul3A_2] : memref<8192xi32, #tpu.memory_space<hbm>> -> memref<256xi32, #tpu.memory_space<hbm>>
      tpu.wait_dma2 semaphore(%run_scoped3A : memref<!tpu.dma_semaphore, #tpu.memory_space<semaphore_mem>>) src(%dma_wait3A_60 : memref<256xi32, #tpu.memory_space<hbm>>) dst(%arg5 : memref<256xi32, #tpu.memory_space<vmem>>)
      tpu.yield
    }) : () -> ()
    %dma_start3A = arith.constant 0 : i32
    %dma_start3A_3 = tpu.memref_slice %arg5[%dma_start3A] : memref<256xi32, #tpu.memory_space<vmem>> -> memref<64xi32, #tpu.memory_space<vmem>>
    %dma_start3A_4 = arith.constant 0 : i32
    %dma_start3A_5 = arith.constant 0 : i32
    %dma_start3A_6 = arith.constant 0 : i32
    %dma_start3A_7 = tpu.memref_slice %arg2[%dma_start3A_4, %dma_start3A_5, %dma_start3A_6] : memref<100000x4x128xf32, #tpu.memory_space<hbm>> -> memref<100000x4x128xf32, #tpu.memory_space<hbm>>
    tpu.enqueue_indirect_dma source(%dma_start3A_7 : memref<100000x4x128xf32, #tpu.memory_space<hbm>>) target(%arg6 : memref<64x4x128xf32, #tpu.memory_space<vmem>>) offsets(%dma_start3A_3 : memref<64xi32, #tpu.memory_space<vmem>>) semaphore(%arg7 : memref<!tpu.dma_semaphore, #tpu.memory_space<semaphore_mem>>)
    %dma_wait3A = arith.constant 0 : i32
    %dma_wait3A_8 = tpu.memref_slice %arg5[%dma_wait3A] : memref<256xi32, #tpu.memory_space<vmem>> -> memref<64xi32, #tpu.memory_space<vmem>>
    %dma_wait3A_9 = arith.constant 0 : i32
    %dma_wait3A_10 = arith.constant 0 : i32
    %dma_wait3A_11 = arith.constant 0 : i32
    %dma_wait3A_12 = tpu.memref_slice %arg2[%dma_wait3A_9, %dma_wait3A_10, %dma_wait3A_11] : memref<100000x4x128xf32, #tpu.memory_space<hbm>> -> memref<100000x4x128xf32, #tpu.memory_space<hbm>>
    tpu.wait_indirect_dma semaphore(%arg7 : memref<!tpu.dma_semaphore, #tpu.memory_space<semaphore_mem>>) src(%dma_wait3A_12 : memref<100000x4x128xf32, #tpu.memory_space<hbm>>) dst(%arg6 : memref<64x4x128xf32, #tpu.memory_space<vmem>>)
    %add3A_13 = arith.constant 0 : i32
    %add3A_14 = arith.addi %mul3A_2, %add3A_13 : i32
    "tpu.region"() ({
      %run_scoped3A = tpu.sem_alloc : memref<!tpu.dma_semaphore, #tpu.memory_space<semaphore_mem>>
      %dma_start3A_57 = arith.constant 0 : i32
      %dma_start3A_58 = arith.constant 0 : i32
      %dma_start3A_59 = tpu.memref_slice %arg4[%add3A_14, %dma_start3A_57, %dma_start3A_58] : memref<8192x4x128xf32, #tpu.memory_space<hbm>> -> memref<64x4x128xf32, #tpu.memory_space<hbm>>
      %dma_start3A_60 = arith.constant 0 : i32
      %dma_start3A_61 = arith.constant 0 : i32
      %dma_start3A_62 = tpu.memref_slice %arg4[%add3A_14, %dma_start3A_60, %dma_start3A_61] : memref<8192x4x128xf32, #tpu.memory_space<hbm>> -> memref<64x4x128xf32, #tpu.memory_space<hbm>>
      tpu.enqueue_dma source(%arg6 : memref<64x4x128xf32, #tpu.memory_space<vmem>>) target(%dma_start3A_62 : memref<64x4x128xf32, #tpu.memory_space<hbm>>) target_semaphore(%run_scoped3A : memref<!tpu.dma_semaphore, #tpu.memory_space<semaphore_mem>>)
      %dma_wait3A_63 = arith.constant 0 : i32
      %dma_wait3A_64 = arith.constant 0 : i32
      %dma_wait3A_65 = tpu.memref_slice %arg4[%add3A_14, %dma_wait3A_63, %dma_wait3A_64] : memref<8192x4x128xf32, #tpu.memory_space<hbm>> -> memref<64x4x128xf32, #tpu.memory_space<hbm>>
      %dma_wait3A_66 = arith.constant 0 : i32
      %dma_wait3A_67 = arith.constant 0 : i32
      %dma_wait3A_68 = tpu.memref_slice %arg4[%add3A_14, %dma_wait3A_66, %dma_wait3A_67] : memref<8192x4x128xf32, #tpu.memory_space<hbm>> -> memref<64x4x128xf32, #tpu.memory_space<hbm>>
      tpu.wait_dma2 semaphore(%run_scoped3A : memref<!tpu.dma_semaphore, #tpu.memory_space<semaphore_mem>>) src(%arg6 : memref<64x4x128xf32, #tpu.memory_space<vmem>>) dst(%dma_wait3A_68 : memref<64x4x128xf32, #tpu.memory_space<hbm>>)
      tpu.yield
    }) : () -> ()
    %dma_start3A_15 = arith.constant 64 : i32
    %dma_start3A_16 = tpu.memref_slice %arg5[%dma_start3A_15] : memref<256xi32, #tpu.memory_space<vmem>> -> memref<64xi32, #tpu.memory_space<vmem>>
    %dma_start3A_17 = arith.constant 0 : i32
    %dma_start3A_18 = arith.constant 0 : i32
    %dma_start3A_19 = arith.constant 0 : i32
    %dma_start3A_20 = tpu.memref_slice %arg2[%dma_start3A_17, %dma_start3A_18, %dma_start3A_19] : memref<100000x4x128xf32, #tpu.memory_space<hbm>> -> memref<100000x4x128xf32, #tpu.memory_space<hbm>>
    tpu.enqueue_indirect_dma source(%dma_start3A_20 : memref<100000x4x128xf32, #tpu.memory_space<hbm>>) target(%arg6 : memref<64x4x128xf32, #tpu.memory_space<vmem>>) offsets(%dma_start3A_16 : memref<64xi32, #tpu.memory_space<vmem>>) semaphore(%arg7 : memref<!tpu.dma_semaphore, #tpu.memory_space<semaphore_mem>>)
    %dma_wait3A_21 = arith.constant 64 : i32
    %dma_wait3A_22 = tpu.memref_slice %arg5[%dma_wait3A_21] : memref<256xi32, #tpu.memory_space<vmem>> -> memref<64xi32, #tpu.memory_space<vmem>>
    %dma_wait3A_23 = arith.constant 0 : i32
    %dma_wait3A_24 = arith.constant 0 : i32
    %dma_wait3A_25 = arith.constant 0 : i32
    %dma_wait3A_26 = tpu.memref_slice %arg2[%dma_wait3A_23, %dma_wait3A_24, %dma_wait3A_25] : memref<100000x4x128xf32, #tpu.memory_space<hbm>> -> memref<100000x4x128xf32, #tpu.memory_space<hbm>>
    tpu.wait_indirect_dma semaphore(%arg7 : memref<!tpu.dma_semaphore, #tpu.memory_space<semaphore_mem>>) src(%dma_wait3A_26 : memref<100000x4x128xf32, #tpu.memory_space<hbm>>) dst(%arg6 : memref<64x4x128xf32, #tpu.memory_space<vmem>>)
    %add3A_27 = arith.constant 64 : i32
    %add3A_28 = arith.addi %mul3A_2, %add3A_27 : i32
    "tpu.region"() ({
      %run_scoped3A = tpu.sem_alloc : memref<!tpu.dma_semaphore, #tpu.memory_space<semaphore_mem>>
      %dma_start3A_57 = arith.constant 0 : i32
      %dma_start3A_58 = arith.constant 0 : i32
      %dma_start3A_59 = tpu.memref_slice %arg4[%add3A_28, %dma_start3A_57, %dma_start3A_58] : memref<8192x4x128xf32, #tpu.memory_space<hbm>> -> memref<64x4x128xf32, #tpu.memory_space<hbm>>
      %dma_start3A_60 = arith.constant 0 : i32
      %dma_start3A_61 = arith.constant 0 : i32
      %dma_start3A_62 = tpu.memref_slice %arg4[%add3A_28, %dma_start3A_60, %dma_start3A_61] : memref<8192x4x128xf32, #tpu.memory_space<hbm>> -> memref<64x4x128xf32, #tpu.memory_space<hbm>>
      tpu.enqueue_dma source(%arg6 : memref<64x4x128xf32, #tpu.memory_space<vmem>>) target(%dma_start3A_62 : memref<64x4x128xf32, #tpu.memory_space<hbm>>) target_semaphore(%run_scoped3A : memref<!tpu.dma_semaphore, #tpu.memory_space<semaphore_mem>>)
      %dma_wait3A_63 = arith.constant 0 : i32
      %dma_wait3A_64 = arith.constant 0 : i32
      %dma_wait3A_65 = tpu.memref_slice %arg4[%add3A_28, %dma_wait3A_63, %dma_wait3A_64] : memref<8192x4x128xf32, #tpu.memory_space<hbm>> -> memref<64x4x128xf32, #tpu.memory_space<hbm>>
      %dma_wait3A_66 = arith.constant 0 : i32
      %dma_wait3A_67 = arith.constant 0 : i32
      %dma_wait3A_68 = tpu.memref_slice %arg4[%add3A_28, %dma_wait3A_66, %dma_wait3A_67] : memref<8192x4x128xf32, #tpu.memory_space<hbm>> -> memref<64x4x128xf32, #tpu.memory_space<hbm>>
      tpu.wait_dma2 semaphore(%run_scoped3A : memref<!tpu.dma_semaphore, #tpu.memory_space<semaphore_mem>>) src(%arg6 : memref<64x4x128xf32, #tpu.memory_space<vmem>>) dst(%dma_wait3A_68 : memref<64x4x128xf32, #tpu.memory_space<hbm>>)
      tpu.yield
    }) : () -> ()
    %dma_start3A_29 = arith.constant 128 : i32
    %dma_start3A_30 = tpu.memref_slice %arg5[%dma_start3A_29] : memref<256xi32, #tpu.memory_space<vmem>> -> memref<64xi32, #tpu.memory_space<vmem>>
    %dma_start3A_31 = arith.constant 0 : i32
    %dma_start3A_32 = arith.constant 0 : i32
    %dma_start3A_33 = arith.constant 0 : i32
    %dma_start3A_34 = tpu.memref_slice %arg2[%dma_start3A_31, %dma_start3A_32, %dma_start3A_33] : memref<100000x4x128xf32, #tpu.memory_space<hbm>> -> memref<100000x4x128xf32, #tpu.memory_space<hbm>>
    tpu.enqueue_indirect_dma source(%dma_start3A_34 : memref<100000x4x128xf32, #tpu.memory_space<hbm>>) target(%arg6 : memref<64x4x128xf32, #tpu.memory_space<vmem>>) offsets(%dma_start3A_30 : memref<64xi32, #tpu.memory_space<vmem>>) semaphore(%arg7 : memref<!tpu.dma_semaphore, #tpu.memory_space<semaphore_mem>>)
    %dma_wait3A_35 = arith.constant 128 : i32
    %dma_wait3A_36 = tpu.memref_slice %arg5[%dma_wait3A_35] : memref<256xi32, #tpu.memory_space<vmem>> -> memref<64xi32, #tpu.memory_space<vmem>>
    %dma_wait3A_37 = arith.constant 0 : i32
    %dma_wait3A_38 = arith.constant 0 : i32
    %dma_wait3A_39 = arith.constant 0 : i32
    %dma_wait3A_40 = tpu.memref_slice %arg2[%dma_wait3A_37, %dma_wait3A_38, %dma_wait3A_39] : memref<100000x4x128xf32, #tpu.memory_space<hbm>> -> memref<100000x4x128xf32, #tpu.memory_space<hbm>>
    tpu.wait_indirect_dma semaphore(%arg7 : memref<!tpu.dma_semaphore, #tpu.memory_space<semaphore_mem>>) src(%dma_wait3A_40 : memref<100000x4x128xf32, #tpu.memory_space<hbm>>) dst(%arg6 : memref<64x4x128xf32, #tpu.memory_space<vmem>>)
    %add3A_41 = arith.constant 128 : i32
    %add3A_42 = arith.addi %mul3A_2, %add3A_41 : i32
    "tpu.region"() ({
      %run_scoped3A = tpu.sem_alloc : memref<!tpu.dma_semaphore, #tpu.memory_space<semaphore_mem>>
      %dma_start3A_57 = arith.constant 0 : i32
      %dma_start3A_58 = arith.constant 0 : i32
      %dma_start3A_59 = tpu.memref_slice %arg4[%add3A_42, %dma_start3A_57, %dma_start3A_58] : memref<8192x4x128xf32, #tpu.memory_space<hbm>> -> memref<64x4x128xf32, #tpu.memory_space<hbm>>
      %dma_start3A_60 = arith.constant 0 : i32
      %dma_start3A_61 = arith.constant 0 : i32
      %dma_start3A_62 = tpu.memref_slice %arg4[%add3A_42, %dma_start3A_60, %dma_start3A_61] : memref<8192x4x128xf32, #tpu.memory_space<hbm>> -> memref<64x4x128xf32, #tpu.memory_space<hbm>>
      tpu.enqueue_dma source(%arg6 : memref<64x4x128xf32, #tpu.memory_space<vmem>>) target(%dma_start3A_62 : memref<64x4x128xf32, #tpu.memory_space<hbm>>) target_semaphore(%run_scoped3A : memref<!tpu.dma_semaphore, #tpu.memory_space<semaphore_mem>>)
      %dma_wait3A_63 = arith.constant 0 : i32
      %dma_wait3A_64 = arith.constant 0 : i32
      %dma_wait3A_65 = tpu.memref_slice %arg4[%add3A_42, %dma_wait3A_63, %dma_wait3A_64] : memref<8192x4x128xf32, #tpu.memory_space<hbm>> -> memref<64x4x128xf32, #tpu.memory_space<hbm>>
      %dma_wait3A_66 = arith.constant 0 : i32
      %dma_wait3A_67 = arith.constant 0 : i32
      %dma_wait3A_68 = tpu.memref_slice %arg4[%add3A_42, %dma_wait3A_66, %dma_wait3A_67] : memref<8192x4x128xf32, #tpu.memory_space<hbm>> -> memref<64x4x128xf32, #tpu.memory_space<hbm>>
      tpu.wait_dma2 semaphore(%run_scoped3A : memref<!tpu.dma_semaphore, #tpu.memory_space<semaphore_mem>>) src(%arg6 : memref<64x4x128xf32, #tpu.memory_space<vmem>>) dst(%dma_wait3A_68 : memref<64x4x128xf32, #tpu.memory_space<hbm>>)
      tpu.yield
    }) : () -> ()
    %dma_start3A_43 = arith.constant 192 : i32
    %dma_start3A_44 = tpu.memref_slice %arg5[%dma_start3A_43] : memref<256xi32, #tpu.memory_space<vmem>> -> memref<64xi32, #tpu.memory_space<vmem>>
    %dma_start3A_45 = arith.constant 0 : i32
    %dma_start3A_46 = arith.constant 0 : i32
    %dma_start3A_47 = arith.constant 0 : i32
    %dma_start3A_48 = tpu.memref_slice %arg2[%dma_start3A_45, %dma_start3A_46, %dma_start3A_47] : memref<100000x4x128xf32, #tpu.memory_space<hbm>> -> memref<100000x4x128xf32, #tpu.memory_space<hbm>>
    tpu.enqueue_indirect_dma source(%dma_start3A_48 : memref<100000x4x128xf32, #tpu.memory_space<hbm>>) target(%arg6 : memref<64x4x128xf32, #tpu.memory_space<vmem>>) offsets(%dma_start3A_44 : memref<64xi32, #tpu.memory_space<vmem>>) semaphore(%arg7 : memref<!tpu.dma_semaphore, #tpu.memory_space<semaphore_mem>>)
    %dma_wait3A_49 = arith.constant 192 : i32
    %dma_wait3A_50 = tpu.memref_slice %arg5[%dma_wait3A_49] : memref<256xi32, #tpu.memory_space<vmem>> -> memref<64xi32, #tpu.memory_space<vmem>>
    %dma_wait3A_51 = arith.constant 0 : i32
    %dma_wait3A_52 = arith.constant 0 : i32
    %dma_wait3A_53 = arith.constant 0 : i32
    %dma_wait3A_54 = tpu.memref_slice %arg2[%dma_wait3A_51, %dma_wait3A_52, %dma_wait3A_53] : memref<100000x4x128xf32, #tpu.memory_space<hbm>> -> memref<100000x4x128xf32, #tpu.memory_space<hbm>>
    tpu.wait_indirect_dma semaphore(%arg7 : memref<!tpu.dma_semaphore, #tpu.memory_space<semaphore_mem>>) src(%dma_wait3A_54 : memref<100000x4x128xf32, #tpu.memory_space<hbm>>) dst(%arg6 : memref<64x4x128xf32, #tpu.memory_space<vmem>>)
    %add3A_55 = arith.constant 192 : i32
    %add3A_56 = arith.addi %mul3A_2, %add3A_55 : i32
    "tpu.region"() ({
      %run_scoped3A = tpu.sem_alloc : memref<!tpu.dma_semaphore, #tpu.memory_space<semaphore_mem>>
      %dma_start3A_57 = arith.constant 0 : i32
      %dma_start3A_58 = arith.constant 0 : i32
      %dma_start3A_59 = tpu.memref_slice %arg4[%add3A_56, %dma_start3A_57, %dma_start3A_58] : memref<8192x4x128xf32, #tpu.memory_space<hbm>> -> memref<64x4x128xf32, #tpu.memory_space<hbm>>
      %dma_start3A_60 = arith.constant 0 : i32
      %dma_start3A_61 = arith.constant 0 : i32
      %dma_start3A_62 = tpu.memref_slice %arg4[%add3A_56, %dma_start3A_60, %dma_start3A_61] : memref<8192x4x128xf32, #tpu.memory_space<hbm>> -> memref<64x4x128xf32, #tpu.memory_space<hbm>>
      tpu.enqueue_dma source(%arg6 : memref<64x4x128xf32, #tpu.memory_space<vmem>>) target(%dma_start3A_62 : memref<64x4x128xf32, #tpu.memory_space<hbm>>) target_semaphore(%run_scoped3A : memref<!tpu.dma_semaphore, #tpu.memory_space<semaphore_mem>>)
      %dma_wait3A_63 = arith.constant 0 : i32
      %dma_wait3A_64 = arith.constant 0 : i32
      %dma_wait3A_65 = tpu.memref_slice %arg4[%add3A_56, %dma_wait3A_63, %dma_wait3A_64] : memref<8192x4x128xf32, #tpu.memory_space<hbm>> -> memref<64x4x128xf32, #tpu.memory_space<hbm>>
      %dma_wait3A_66 = arith.constant 0 : i32
      %dma_wait3A_67 = arith.constant 0 : i32
      %dma_wait3A_68 = tpu.memref_slice %arg4[%add3A_56, %dma_wait3A_66, %dma_wait3A_67] : memref<8192x4x128xf32, #tpu.memory_space<hbm>> -> memref<64x4x128xf32, #tpu.memory_space<hbm>>
      tpu.wait_dma2 semaphore(%run_scoped3A : memref<!tpu.dma_semaphore, #tpu.memory_space<semaphore_mem>>) src(%arg6 : memref<64x4x128xf32, #tpu.memory_space<vmem>>) dst(%dma_wait3A_68 : memref<64x4x128xf32, #tpu.memory_space<hbm>>)
      tpu.yield
    }) : () -> ()
    return
  }
}

module attributes {stable_mosaic.version = 14 : i64} {
  func.func @_fb_body(%arg0: i32, %arg1: memref<2000x128xf32, #tpu.memory_space<vmem>>, %arg2: memref<1024x128xf32, #tpu.memory_space<vmem>>, %arg3: memref<1024x1xi32, #tpu.memory_space<vmem>>, %arg4: memref<1024x8xf32, #tpu.memory_space<vmem>>, %arg5: memref<1024x8xi32, #tpu.memory_space<vmem>>, %arg6: memref<1x1xf32, #tpu.memory_space<vmem>>, %arg7: memref<1024x8xf32, #tpu.memory_space<vmem>>, %arg8: memref<1024x8xi32, #tpu.memory_space<vmem>>, %arg9: memref<64x128xf32, #tpu.memory_space<vmem>>, %arg10: memref<1024x1xi32, #tpu.memory_space<vmem>>, %arg11: memref<64x8xf32, #tpu.memory_space<vmem>>, %arg12: memref<64x8xi32, #tpu.memory_space<vmem>>) attributes {dimension_semantics = [#tpu.dimension_semantics<arbitrary>], iteration_bounds = array<i64: 50>, scalar_prefetch = 0 : i64, scratch_operands = 4 : i64, tpu.core_type = #tpu.core_type<tc>, window_params = [{transform_indices = @transform_0, window_bounds = array<i64: 2000, 128>}, {pipeline_mode = #tpu.pipeline_mode<synchronous>, transform_indices = @transform_1, window_bounds = array<i64: 1024, 128>}, {pipeline_mode = #tpu.pipeline_mode<synchronous>, transform_indices = @transform_2, window_bounds = array<i64: 1024, 1>}, {pipeline_mode = #tpu.pipeline_mode<synchronous>, transform_indices = @transform_3, window_bounds = array<i64: 1024, 8>}, {pipeline_mode = #tpu.pipeline_mode<synchronous>, transform_indices = @transform_4, window_bounds = array<i64: 1024, 8>}, {pipeline_mode = #tpu.pipeline_mode<synchronous>, transform_indices = @transform_5, window_bounds = array<i64: 1, 1>}, {pipeline_mode = #tpu.pipeline_mode<synchronous>, transform_indices = @transform_6, window_bounds = array<i64: 1024, 8>}, {pipeline_mode = #tpu.pipeline_mode<synchronous>, transform_indices = @transform_7, window_bounds = array<i64: 1024, 8>}]} {
    %eq3A = arith.constant 0 : i32
    %eq3A_0 = arith.cmpi eq, %arg0, %eq3A : i32
    %convert_element_type3A = arith.extui %eq3A_0 : i1 to i32
    %cond3A = arith.constant 0 : i32
    %cond3A_1 = arith.cmpi ne, %convert_element_type3A, %cond3A : i32
    scf.if %cond3A_1 {
      %get3A_367 = arith.constant 0 : index
      %get3A_368 = arith.constant 0 : index
      %get3A_369 = vector.load %arg3[%get3A_367, %get3A_368] : memref<1024x1xi32, #tpu.memory_space<vmem>>, vector<1024x1xi32>
      %convert_element_type3A_370 = arith.sitofp %get3A_369 : vector<1024x1xi32> to vector<1024x1xf32>
      %iota3A_371 = tpu.iota {dimensions = array<i32: 1>} : vector<1024x1024xi32>
      %iota3A_372 = tpu.iota {dimensions = array<i32: 0>} : vector<1024x1024xi32>
      %le3A = arith.cmpi sle, %iota3A_371, %iota3A_372 : vector<1024x1024xi32>
      %convert_element_type3A_373 = arith.extui %le3A : vector<1024x1024xi1> to vector<1024x1024xi32>
      %convert_element_type3A_374 = arith.sitofp %convert_element_type3A_373 : vector<1024x1024xi32> to vector<1024x1024xf32>
      %dot_general3A_375 = arith.constant dense<0.000000e+00> : vector<1024x1xf32>
      %dot_general3A_376 = tpu.matmul %convert_element_type3A_374, %convert_element_type3A_370, %dot_general3A_375 {dimension_numbers = #tpu.dot_dimension_numbers<[1], [0], [0], [1], [0, 0, 1, 1], [], []>, precision = #tpu.contract_precision<fp32>, transpose_lhs_hint = false} : vector<1024x1024xf32>, vector<1024x1xf32>, vector<1024x1xf32> -> vector<1024x1xf32>
      %sub3A = arith.constant 1.000000e+00 : f32
      %sub3A_377 = vector.broadcast %sub3A : f32 to vector<1024x1xf32>
      %sub3A_378 = arith.subf %dot_general3A_376, %sub3A_377 : vector<1024x1xf32>
      %convert_element_type3A_379 = arith.fptosi %sub3A_378 : vector<1024x1xf32> to vector<1024x1xi32>
      %swap3A_380 = arith.constant 0 : index
      %swap3A_381 = arith.constant 0 : index
      %swap3A_382 = vector.load %arg10[%swap3A_380, %swap3A_381] : memref<1024x1xi32, #tpu.memory_space<vmem>>, vector<1024x1xi32>
      tpu.vector_store %arg10[%swap3A_380, %swap3A_381], %convert_element_type3A_379 {strides = array<i32>} : memref<1024x1xi32, #tpu.memory_space<vmem>>, vector<1024x1xi32>,
      %get3A_383 = arith.constant 0 : index
      %get3A_384 = arith.constant 0 : index
      %get3A_385 = vector.load %arg3[%get3A_383, %get3A_384] : memref<1024x1xi32, #tpu.memory_space<vmem>>, vector<1024x1xi32>
      %gt3A = arith.constant 0 : i32
      %gt3A_386 = vector.broadcast %gt3A : i32 to vector<1024x1xi32>
      %gt3A_387 = arith.cmpi sgt, %get3A_385, %gt3A_386 : vector<1024x1xi32>
      %iota3A_388 = tpu.iota {dimensions = array<i32: 0>} : vector<64x1024xi32>
      %reshape3A = vector.shape_cast %convert_element_type3A_379 : vector<1024x1xi32> to vector<1x1024xi32>
      %eq3A_389 = vector.broadcast %reshape3A : vector<1x1024xi32> to vector<64x1024xi32>
      %eq3A_390 = arith.cmpi eq, %eq3A_389, %iota3A_388 : vector<64x1024xi32>
      %reshape3A_391 = vector.shape_cast %gt3A_387 : vector<1024x1xi1> to vector<1x1024xi1>
      %and3A = vector.broadcast %reshape3A_391 : vector<1x1024xi1> to vector<64x1024xi1>
      %and3A_392 = arith.andi %eq3A_390, %and3A : vector<64x1024xi1>
      %jit3A_393 = arith.constant 1.000000e+00 : f32
      %jit3A_394 = arith.constant 0.000000e+00 : f32
      %broadcast_in_dim3A_395 = vector.broadcast %jit3A_393 : f32 to vector<64x1024xf32>
      %broadcast_in_dim3A_396 = vector.broadcast %jit3A_394 : f32 to vector<64x1024xf32>
      %select_n3A_397 = arith.select %and3A_392, %broadcast_in_dim3A_395, %broadcast_in_dim3A_396 : vector<64x1024xi1>, vector<64x1024xf32>
      %get3A_398 = arith.constant 0 : index
      %get3A_399 = arith.constant 0 : index
      %get3A_400 = vector.load %arg2[%get3A_398, %get3A_399] : memref<1024x128xf32, #tpu.memory_space<vmem>>, vector<1024x128xf32>
      %dot_general3A_401 = arith.constant dense<0.000000e+00> : vector<64x128xf32>
      %dot_general3A_402 = tpu.matmul %select_n3A_397, %get3A_400, %dot_general3A_401 {dimension_numbers = #tpu.dot_dimension_numbers<[1], [0], [0], [1], [0, 0, 1, 1], [], []>, precision = #tpu.contract_precision<fp32>, transpose_lhs_hint = false} : vector<64x1024xf32>, vector<1024x128xf32>, vector<64x128xf32> -> vector<64x128xf32>
      %swap3A_403 = arith.constant 0 : index
      %swap3A_404 = arith.constant 0 : index
      %swap3A_405 = vector.load %arg9[%swap3A_403, %swap3A_404] : memref<64x128xf32, #tpu.memory_space<vmem>>, vector<64x128xf32>
      tpu.vector_store %arg9[%swap3A_403, %swap3A_404], %dot_general3A_402 {strides = array<i32>} : memref<64x128xf32, #tpu.memory_space<vmem>>, vector<64x128xf32>,
      %broadcast_in_dim3A_406 = arith.constant 0xFF800000 : f32
      %broadcast_in_dim3A_407 = vector.broadcast %broadcast_in_dim3A_406 : f32 to vector<64x8xf32>
      %swap3A_408 = arith.constant 0 : index
      %swap3A_409 = arith.constant 0 : index
      %swap3A_410 = vector.load %arg11[%swap3A_408, %swap3A_409] : memref<64x8xf32, #tpu.memory_space<vmem>>, vector<64x8xf32>
      tpu.vector_store %arg11[%swap3A_408, %swap3A_409], %broadcast_in_dim3A_407 {strides = array<i32>} : memref<64x8xf32, #tpu.memory_space<vmem>>, vector<64x8xf32>,
      %broadcast_in_dim3A_411 = arith.constant 0 : i32
      %broadcast_in_dim3A_412 = vector.broadcast %broadcast_in_dim3A_411 : i32 to vector<64x8xi32>
      %swap3A_413 = arith.constant 0 : index
      %swap3A_414 = arith.constant 0 : index
      %swap3A_415 = vector.load %arg12[%swap3A_413, %swap3A_414] : memref<64x8xi32, #tpu.memory_space<vmem>>, vector<64x8xi32>
      tpu.vector_store %arg12[%swap3A_413, %swap3A_414], %broadcast_in_dim3A_412 {strides = array<i32>} : memref<64x8xi32, #tpu.memory_space<vmem>>, vector<64x8xi32>,
    } else {
    }
    %get3A = arith.constant 0 : index
    %get3A_2 = arith.constant 0 : index
    %get3A_3 = vector.load %arg9[%get3A, %get3A_2] : memref<64x128xf32, #tpu.memory_space<vmem>>, vector<64x128xf32>
    %get3A_4 = arith.constant 0 : index
    %get3A_5 = arith.constant 0 : index
    %get3A_6 = vector.load %arg1[%get3A_4, %get3A_5] : memref<2000x128xf32, #tpu.memory_space<vmem>>, vector<2000x128xf32>
    %dot_general3A = arith.constant dense<0.000000e+00> : vector<64x2000xf32>
    %dot_general3A_7 = tpu.matmul %get3A_3, %get3A_6, %dot_general3A {dimension_numbers = #tpu.dot_dimension_numbers<[1], [1], [0], [0], [0, 0, 1, 0], [], []>, transpose_lhs_hint = false} : vector<64x128xf32>, vector<2000x128xf32>, vector<64x2000xf32> -> vector<64x2000xf32>
    %get3A_8 = arith.constant 0 : index
    %get3A_9 = arith.constant 0 : index
    %get3A_10 = vector.load %arg6[%get3A_8, %get3A_9] : memref<1x1xf32, #tpu.memory_space<vmem>>, vector<1x1xf32>
    %get3A_11 = vector.extract %get3A_10[0, 0] : f32 from vector<1x1xf32>
    %div3A = vector.broadcast %get3A_11 : f32 to vector<64x2000xf32>
    %div3A_12 = arith.divf %dot_general3A_7, %div3A : vector<64x2000xf32>
    %iota3A = tpu.iota {dimensions = array<i32: 1>} : vector<64x2000xi32>
    %reduce_max3A = arith.constant dense<0xFF800000> : vector<64xf32>
    %reduce_max3A_13 = vector.multi_reduction <maximumf>, %div3A_12, %reduce_max3A [1] : vector<64x2000xf32> to vector<64xf32>
    %broadcast_in_dim3A = vector.shape_cast %reduce_max3A_13 : vector<64xf32> to vector<64x1xf32>
    %eq3A_14 = vector.broadcast %broadcast_in_dim3A : vector<64x1xf32> to vector<64x2000xf32>
    %eq3A_15 = arith.cmpf oeq, %div3A_12, %eq3A_14 : vector<64x2000xf32>
    %jit3A = arith.constant 2000 : i32
    %broadcast_in_dim3A_16 = vector.broadcast %jit3A : i32 to vector<64x2000xi32>
    %select_n3A = arith.select %eq3A_15, %iota3A, %broadcast_in_dim3A_16 : vector<64x2000xi1>, vector<64x2000xi32>
    %reduce_min3A = arith.constant dense<2147483647> : vector<64xi32>
    %reduce_min3A_17 = vector.multi_reduction <minsi>, %select_n3A, %reduce_min3A [1] : vector<64x2000xi32> to vector<64xi32>
    %broadcast_in_dim3A_18 = vector.shape_cast %reduce_min3A_17 : vector<64xi32> to vector<64x1xi32>
    %mul3A = arith.constant 2000 : i32
    %mul3A_19 = arith.muli %arg0, %mul3A : i32
    %add3A = vector.broadcast %mul3A_19 : i32 to vector<64x1xi32>
    %add3A_20 = arith.addi %broadcast_in_dim3A_18, %add3A : vector<64x1xi32>
    %eq3A_21 = vector.broadcast %broadcast_in_dim3A_18 : vector<64x1xi32> to vector<64x2000xi32>
    %eq3A_22 = arith.cmpi eq, %iota3A, %eq3A_21 : vector<64x2000xi32>
    %jit3A_23 = arith.constant 0xFF800000 : f32
    %broadcast_in_dim3A_24 = vector.broadcast %jit3A_23 : f32 to vector<64x2000xf32>
    %select_n3A_25 = arith.select %eq3A_22, %broadcast_in_dim3A_24, %div3A_12 : vector<64x2000xi1>, vector<64x2000xf32>
    %reduce_max3A_26 = arith.constant dense<0xFF800000> : vector<64xf32>
    %reduce_max3A_27 = vector.multi_reduction <maximumf>, %select_n3A_25, %reduce_max3A_26 [1] : vector<64x2000xf32> to vector<64xf32>
    %broadcast_in_dim3A_28 = vector.shape_cast %reduce_max3A_27 : vector<64xf32> to vector<64x1xf32>
    %eq3A_29 = vector.broadcast %broadcast_in_dim3A_28 : vector<64x1xf32> to vector<64x2000xf32>
    %eq3A_30 = arith.cmpf oeq, %select_n3A_25, %eq3A_29 : vector<64x2000xf32>
    %jit3A_31 = arith.constant 2000 : i32
    %broadcast_in_dim3A_32 = vector.broadcast %jit3A_31 : i32 to vector<64x2000xi32>
    %select_n3A_33 = arith.select %eq3A_30, %iota3A, %broadcast_in_dim3A_32 : vector<64x2000xi1>, vector<64x2000xi32>
    %reduce_min3A_34 = arith.constant dense<2147483647> : vector<64xi32>
    %reduce_min3A_35 = vector.multi_reduction <minsi>, %select_n3A_33, %reduce_min3A_34 [1] : vector<64x2000xi32> to vector<64xi32>
    %broadcast_in_dim3A_36 = vector.shape_cast %reduce_min3A_35 : vector<64xi32> to vector<64x1xi32>
    %mul3A_37 = arith.constant 2000 : i32
    %mul3A_38 = arith.muli %arg0, %mul3A_37 : i32
    %add3A_39 = vector.broadcast %mul3A_38 : i32 to vector<64x1xi32>
    %add3A_40 = arith.addi %broadcast_in_dim3A_36, %add3A_39 : vector<64x1xi32>
    %eq3A_41 = vector.broadcast %broadcast_in_dim3A_36 : vector<64x1xi32> to vector<64x2000xi32>
    %eq3A_42 = arith.cmpi eq, %iota3A, %eq3A_41 : vector<64x2000xi32>
    %jit3A_43 = arith.constant 0xFF800000 : f32
    %broadcast_in_dim3A_44 = vector.broadcast %jit3A_43 : f32 to vector<64x2000xf32>
    %select_n3A_45 = arith.select %eq3A_42, %broadcast_in_dim3A_44, %select_n3A_25 : vector<64x2000xi1>, vector<64x2000xf32>
    %reduce_max3A_46 = arith.constant dense<0xFF800000> : vector<64xf32>
    %reduce_max3A_47 = vector.multi_reduction <maximumf>, %select_n3A_45, %reduce_max3A_46 [1] : vector<64x2000xf32> to vector<64xf32>
    %broadcast_in_dim3A_48 = vector.shape_cast %reduce_max3A_47 : vector<64xf32> to vector<64x1xf32>
    %eq3A_49 = vector.broadcast %broadcast_in_dim3A_48 : vector<64x1xf32> to vector<64x2000xf32>
    %eq3A_50 = arith.cmpf oeq, %select_n3A_45, %eq3A_49 : vector<64x2000xf32>
    %jit3A_51 = arith.constant 2000 : i32
    %broadcast_in_dim3A_52 = vector.broadcast %jit3A_51 : i32 to vector<64x2000xi32>
    %select_n3A_53 = arith.select %eq3A_50, %iota3A, %broadcast_in_dim3A_52 : vector<64x2000xi1>, vector<64x2000xi32>
    %reduce_min3A_54 = arith.constant dense<2147483647> : vector<64xi32>
    %reduce_min3A_55 = vector.multi_reduction <minsi>, %select_n3A_53, %reduce_min3A_54 [1] : vector<64x2000xi32> to vector<64xi32>
    %broadcast_in_dim3A_56 = vector.shape_cast %reduce_min3A_55 : vector<64xi32> to vector<64x1xi32>
    %mul3A_57 = arith.constant 2000 : i32
    %mul3A_58 = arith.muli %arg0, %mul3A_57 : i32
    %add3A_59 = vector.broadcast %mul3A_58 : i32 to vector<64x1xi32>
    %add3A_60 = arith.addi %broadcast_in_dim3A_56, %add3A_59 : vector<64x1xi32>
    %eq3A_61 = vector.broadcast %broadcast_in_dim3A_56 : vector<64x1xi32> to vector<64x2000xi32>
    %eq3A_62 = arith.cmpi eq, %iota3A, %eq3A_61 : vector<64x2000xi32>
    %jit3A_63 = arith.constant 0xFF800000 : f32
    %broadcast_in_dim3A_64 = vector.broadcast %jit3A_63 : f32 to vector<64x2000xf32>
    %select_n3A_65 = arith.select %eq3A_62, %broadcast_in_dim3A_64, %select_n3A_45 : vector<64x2000xi1>, vector<64x2000xf32>
    %reduce_max3A_66 = arith.constant dense<0xFF800000> : vector<64xf32>
    %reduce_max3A_67 = vector.multi_reduction <maximumf>, %select_n3A_65, %reduce_max3A_66 [1] : vector<64x2000xf32> to vector<64xf32>
    %broadcast_in_dim3A_68 = vector.shape_cast %reduce_max3A_67 : vector<64xf32> to vector<64x1xf32>
    %eq3A_69 = vector.broadcast %broadcast_in_dim3A_68 : vector<64x1xf32> to vector<64x2000xf32>
    %eq3A_70 = arith.cmpf oeq, %select_n3A_65, %eq3A_69 : vector<64x2000xf32>
    %jit3A_71 = arith.constant 2000 : i32
    %broadcast_in_dim3A_72 = vector.broadcast %jit3A_71 : i32 to vector<64x2000xi32>
    %select_n3A_73 = arith.select %eq3A_70, %iota3A, %broadcast_in_dim3A_72 : vector<64x2000xi1>, vector<64x2000xi32>
    %reduce_min3A_74 = arith.constant dense<2147483647> : vector<64xi32>
    %reduce_min3A_75 = vector.multi_reduction <minsi>, %select_n3A_73, %reduce_min3A_74 [1] : vector<64x2000xi32> to vector<64xi32>
    %broadcast_in_dim3A_76 = vector.shape_cast %reduce_min3A_75 : vector<64xi32> to vector<64x1xi32>
    %mul3A_77 = arith.constant 2000 : i32
    %mul3A_78 = arith.muli %arg0, %mul3A_77 : i32
    %add3A_79 = vector.broadcast %mul3A_78 : i32 to vector<64x1xi32>
    %add3A_80 = arith.addi %broadcast_in_dim3A_76, %add3A_79 : vector<64x1xi32>
    %eq3A_81 = vector.broadcast %broadcast_in_dim3A_76 : vector<64x1xi32> to vector<64x2000xi32>
    %eq3A_82 = arith.cmpi eq, %iota3A, %eq3A_81 : vector<64x2000xi32>
    %jit3A_83 = arith.constant 0xFF800000 : f32
    %broadcast_in_dim3A_84 = vector.broadcast %jit3A_83 : f32 to vector<64x2000xf32>
    %select_n3A_85 = arith.select %eq3A_82, %broadcast_in_dim3A_84, %select_n3A_65 : vector<64x2000xi1>, vector<64x2000xf32>
    %reduce_max3A_86 = arith.constant dense<0xFF800000> : vector<64xf32>
    %reduce_max3A_87 = vector.multi_reduction <maximumf>, %select_n3A_85, %reduce_max3A_86 [1] : vector<64x2000xf32> to vector<64xf32>
    %broadcast_in_dim3A_88 = vector.shape_cast %reduce_max3A_87 : vector<64xf32> to vector<64x1xf32>
    %eq3A_89 = vector.broadcast %broadcast_in_dim3A_88 : vector<64x1xf32> to vector<64x2000xf32>
    %eq3A_90 = arith.cmpf oeq, %select_n3A_85, %eq3A_89 : vector<64x2000xf32>
    %jit3A_91 = arith.constant 2000 : i32
    %broadcast_in_dim3A_92 = vector.broadcast %jit3A_91 : i32 to vector<64x2000xi32>
    %select_n3A_93 = arith.select %eq3A_90, %iota3A, %broadcast_in_dim3A_92 : vector<64x2000xi1>, vector<64x2000xi32>
    %reduce_min3A_94 = arith.constant dense<2147483647> : vector<64xi32>
    %reduce_min3A_95 = vector.multi_reduction <minsi>, %select_n3A_93, %reduce_min3A_94 [1] : vector<64x2000xi32> to vector<64xi32>
    %broadcast_in_dim3A_96 = vector.shape_cast %reduce_min3A_95 : vector<64xi32> to vector<64x1xi32>
    %mul3A_97 = arith.constant 2000 : i32
    %mul3A_98 = arith.muli %arg0, %mul3A_97 : i32
    %add3A_99 = vector.broadcast %mul3A_98 : i32 to vector<64x1xi32>
    %add3A_100 = arith.addi %broadcast_in_dim3A_96, %add3A_99 : vector<64x1xi32>
    %eq3A_101 = vector.broadcast %broadcast_in_dim3A_96 : vector<64x1xi32> to vector<64x2000xi32>
    %eq3A_102 = arith.cmpi eq, %iota3A, %eq3A_101 : vector<64x2000xi32>
    %jit3A_103 = arith.constant 0xFF800000 : f32
    %broadcast_in_dim3A_104 = vector.broadcast %jit3A_103 : f32 to vector<64x2000xf32>
    %select_n3A_105 = arith.select %eq3A_102, %broadcast_in_dim3A_104, %select_n3A_85 : vector<64x2000xi1>, vector<64x2000xf32>
    %reduce_max3A_106 = arith.constant dense<0xFF800000> : vector<64xf32>
    %reduce_max3A_107 = vector.multi_reduction <maximumf>, %select_n3A_105, %reduce_max3A_106 [1] : vector<64x2000xf32> to vector<64xf32>
    %broadcast_in_dim3A_108 = vector.shape_cast %reduce_max3A_107 : vector<64xf32> to vector<64x1xf32>
    %eq3A_109 = vector.broadcast %broadcast_in_dim3A_108 : vector<64x1xf32> to vector<64x2000xf32>
    %eq3A_110 = arith.cmpf oeq, %select_n3A_105, %eq3A_109 : vector<64x2000xf32>
    %jit3A_111 = arith.constant 2000 : i32
    %broadcast_in_dim3A_112 = vector.broadcast %jit3A_111 : i32 to vector<64x2000xi32>
    %select_n3A_113 = arith.select %eq3A_110, %iota3A, %broadcast_in_dim3A_112 : vector<64x2000xi1>, vector<64x2000xi32>
    %reduce_min3A_114 = arith.constant dense<2147483647> : vector<64xi32>
    %reduce_min3A_115 = vector.multi_reduction <minsi>, %select_n3A_113, %reduce_min3A_114 [1] : vector<64x2000xi32> to vector<64xi32>
    %broadcast_in_dim3A_116 = vector.shape_cast %reduce_min3A_115 : vector<64xi32> to vector<64x1xi32>
    %mul3A_117 = arith.constant 2000 : i32
    %mul3A_118 = arith.muli %arg0, %mul3A_117 : i32
    %add3A_119 = vector.broadcast %mul3A_118 : i32 to vector<64x1xi32>
    %add3A_120 = arith.addi %broadcast_in_dim3A_116, %add3A_119 : vector<64x1xi32>
    %eq3A_121 = vector.broadcast %broadcast_in_dim3A_116 : vector<64x1xi32> to vector<64x2000xi32>
    %eq3A_122 = arith.cmpi eq, %iota3A, %eq3A_121 : vector<64x2000xi32>
    %jit3A_123 = arith.constant 0xFF800000 : f32
    %broadcast_in_dim3A_124 = vector.broadcast %jit3A_123 : f32 to vector<64x2000xf32>
    %select_n3A_125 = arith.select %eq3A_122, %broadcast_in_dim3A_124, %select_n3A_105 : vector<64x2000xi1>, vector<64x2000xf32>
    %reduce_max3A_126 = arith.constant dense<0xFF800000> : vector<64xf32>
    %reduce_max3A_127 = vector.multi_reduction <maximumf>, %select_n3A_125, %reduce_max3A_126 [1] : vector<64x2000xf32> to vector<64xf32>
    %broadcast_in_dim3A_128 = vector.shape_cast %reduce_max3A_127 : vector<64xf32> to vector<64x1xf32>
    %eq3A_129 = vector.broadcast %broadcast_in_dim3A_128 : vector<64x1xf32> to vector<64x2000xf32>
    %eq3A_130 = arith.cmpf oeq, %select_n3A_125, %eq3A_129 : vector<64x2000xf32>
    %jit3A_131 = arith.constant 2000 : i32
    %broadcast_in_dim3A_132 = vector.broadcast %jit3A_131 : i32 to vector<64x2000xi32>
    %select_n3A_133 = arith.select %eq3A_130, %iota3A, %broadcast_in_dim3A_132 : vector<64x2000xi1>, vector<64x2000xi32>
    %reduce_min3A_134 = arith.constant dense<2147483647> : vector<64xi32>
    %reduce_min3A_135 = vector.multi_reduction <minsi>, %select_n3A_133, %reduce_min3A_134 [1] : vector<64x2000xi32> to vector<64xi32>
    %broadcast_in_dim3A_136 = vector.shape_cast %reduce_min3A_135 : vector<64xi32> to vector<64x1xi32>
    %mul3A_137 = arith.constant 2000 : i32
    %mul3A_138 = arith.muli %arg0, %mul3A_137 : i32
    %add3A_139 = vector.broadcast %mul3A_138 : i32 to vector<64x1xi32>
    %add3A_140 = arith.addi %broadcast_in_dim3A_136, %add3A_139 : vector<64x1xi32>
    %eq3A_141 = vector.broadcast %broadcast_in_dim3A_136 : vector<64x1xi32> to vector<64x2000xi32>
    %eq3A_142 = arith.cmpi eq, %iota3A, %eq3A_141 : vector<64x2000xi32>
    %jit3A_143 = arith.constant 0xFF800000 : f32
    %broadcast_in_dim3A_144 = vector.broadcast %jit3A_143 : f32 to vector<64x2000xf32>
    %select_n3A_145 = arith.select %eq3A_142, %broadcast_in_dim3A_144, %select_n3A_125 : vector<64x2000xi1>, vector<64x2000xf32>
    %reduce_max3A_146 = arith.constant dense<0xFF800000> : vector<64xf32>
    %reduce_max3A_147 = vector.multi_reduction <maximumf>, %select_n3A_145, %reduce_max3A_146 [1] : vector<64x2000xf32> to vector<64xf32>
    %broadcast_in_dim3A_148 = vector.shape_cast %reduce_max3A_147 : vector<64xf32> to vector<64x1xf32>
    %eq3A_149 = vector.broadcast %broadcast_in_dim3A_148 : vector<64x1xf32> to vector<64x2000xf32>
    %eq3A_150 = arith.cmpf oeq, %select_n3A_145, %eq3A_149 : vector<64x2000xf32>
    %jit3A_151 = arith.constant 2000 : i32
    %broadcast_in_dim3A_152 = vector.broadcast %jit3A_151 : i32 to vector<64x2000xi32>
    %select_n3A_153 = arith.select %eq3A_150, %iota3A, %broadcast_in_dim3A_152 : vector<64x2000xi1>, vector<64x2000xi32>
    %reduce_min3A_154 = arith.constant dense<2147483647> : vector<64xi32>
    %reduce_min3A_155 = vector.multi_reduction <minsi>, %select_n3A_153, %reduce_min3A_154 [1] : vector<64x2000xi32> to vector<64xi32>
    %broadcast_in_dim3A_156 = vector.shape_cast %reduce_min3A_155 : vector<64xi32> to vector<64x1xi32>
    %mul3A_157 = arith.constant 2000 : i32
    %mul3A_158 = arith.muli %arg0, %mul3A_157 : i32
    %add3A_159 = vector.broadcast %mul3A_158 : i32 to vector<64x1xi32>
    %add3A_160 = arith.addi %broadcast_in_dim3A_156, %add3A_159 : vector<64x1xi32>
    %get3A_161 = arith.constant 0 : index
    %get3A_162 = arith.constant 0 : index
    %get3A_163 = vector.load %arg11[%get3A_161, %get3A_162] : memref<64x8xf32, #tpu.memory_space<vmem>>, vector<64x8xf32>
    %concatenate3A = tpu.concatenate %get3A_163, %broadcast_in_dim3A, %broadcast_in_dim3A_28, %broadcast_in_dim3A_48, %broadcast_in_dim3A_68, %broadcast_in_dim3A_88, %broadcast_in_dim3A_108, %broadcast_in_dim3A_128, %broadcast_in_dim3A_148 in 1 : vector<64x8xf32>, vector<64x1xf32>, vector<64x1xf32>, vector<64x1xf32>, vector<64x1xf32>, vector<64x1xf32>, vector<64x1xf32>, vector<64x1xf32>, vector<64x1xf32> -> vector<64x16xf32>
    %get3A_164 = arith.constant 0 : index
    %get3A_165 = arith.constant 0 : index
    %get3A_166 = vector.load %arg12[%get3A_164, %get3A_165] : memref<64x8xi32, #tpu.memory_space<vmem>>, vector<64x8xi32>
    %concatenate3A_167 = tpu.concatenate %get3A_166, %add3A_20, %add3A_40, %add3A_60, %add3A_80, %add3A_100, %add3A_120, %add3A_140, %add3A_160 in 1 : vector<64x8xi32>, vector<64x1xi32>, vector<64x1xi32>, vector<64x1xi32>, vector<64x1xi32>, vector<64x1xi32>, vector<64x1xi32>, vector<64x1xi32>, vector<64x1xi32> -> vector<64x16xi32>
    %iota3A_168 = tpu.iota {dimensions = array<i32: 1>} : vector<64x16xi32>
    %reduce_max3A_169 = arith.constant dense<0xFF800000> : vector<64xf32>
    %reduce_max3A_170 = vector.multi_reduction <maximumf>, %concatenate3A, %reduce_max3A_169 [1] : vector<64x16xf32> to vector<64xf32>
    %broadcast_in_dim3A_171 = vector.shape_cast %reduce_max3A_170 : vector<64xf32> to vector<64x1xf32>
    %eq3A_172 = vector.broadcast %broadcast_in_dim3A_171 : vector<64x1xf32> to vector<64x16xf32>
    %eq3A_173 = arith.cmpf oeq, %concatenate3A, %eq3A_172 : vector<64x16xf32>
    %jit3A_174 = arith.constant 16 : i32
    %broadcast_in_dim3A_175 = vector.broadcast %jit3A_174 : i32 to vector<64x16xi32>
    %select_n3A_176 = arith.select %eq3A_173, %iota3A_168, %broadcast_in_dim3A_175 : vector<64x16xi1>, vector<64x16xi32>
    %reduce_min3A_177 = arith.constant dense<2147483647> : vector<64xi32>
    %reduce_min3A_178 = vector.multi_reduction <minsi>, %select_n3A_176, %reduce_min3A_177 [1] : vector<64x16xi32> to vector<64xi32>
    %broadcast_in_dim3A_179 = vector.shape_cast %reduce_min3A_178 : vector<64xi32> to vector<64x1xi32>
    %eq3A_180 = vector.broadcast %broadcast_in_dim3A_179 : vector<64x1xi32> to vector<64x16xi32>
    %eq3A_181 = arith.cmpi eq, %iota3A_168, %eq3A_180 : vector<64x16xi32>
    %jit3A_182 = arith.constant 0 : i32
    %broadcast_in_dim3A_183 = vector.broadcast %jit3A_182 : i32 to vector<64x16xi32>
    %select_n3A_184 = arith.select %eq3A_181, %concatenate3A_167, %broadcast_in_dim3A_183 : vector<64x16xi1>, vector<64x16xi32>
    %reduce_sum3A = arith.constant dense<0> : vector<64xi32>
    %reduce_sum3A_185 = vector.multi_reduction <add>, %select_n3A_184, %reduce_sum3A [1] : vector<64x16xi32> to vector<64xi32>
    %broadcast_in_dim3A_186 = vector.shape_cast %reduce_sum3A_185 : vector<64xi32> to vector<64x1xi32>
    %eq3A_187 = vector.broadcast %broadcast_in_dim3A_179 : vector<64x1xi32> to vector<64x16xi32>
    %eq3A_188 = arith.cmpi eq, %iota3A_168, %eq3A_187 : vector<64x16xi32>
    %jit3A_189 = arith.constant 0xFF800000 : f32
    %broadcast_in_dim3A_190 = vector.broadcast %jit3A_189 : f32 to vector<64x16xf32>
    %select_n3A_191 = arith.select %eq3A_188, %broadcast_in_dim3A_190, %concatenate3A : vector<64x16xi1>, vector<64x16xf32>
    %reduce_max3A_192 = arith.constant dense<0xFF800000> : vector<64xf32>
    %reduce_max3A_193 = vector.multi_reduction <maximumf>, %select_n3A_191, %reduce_max3A_192 [1] : vector<64x16xf32> to vector<64xf32>
    %broadcast_in_dim3A_194 = vector.shape_cast %reduce_max3A_193 : vector<64xf32> to vector<64x1xf32>
    %eq3A_195 = vector.broadcast %broadcast_in_dim3A_194 : vector<64x1xf32> to vector<64x16xf32>
    %eq3A_196 = arith.cmpf oeq, %select_n3A_191, %eq3A_195 : vector<64x16xf32>
    %jit3A_197 = arith.constant 16 : i32
    %broadcast_in_dim3A_198 = vector.broadcast %jit3A_197 : i32 to vector<64x16xi32>
    %select_n3A_199 = arith.select %eq3A_196, %iota3A_168, %broadcast_in_dim3A_198 : vector<64x16xi1>, vector<64x16xi32>
    %reduce_min3A_200 = arith.constant dense<2147483647> : vector<64xi32>
    %reduce_min3A_201 = vector.multi_reduction <minsi>, %select_n3A_199, %reduce_min3A_200 [1] : vector<64x16xi32> to vector<64xi32>
    %broadcast_in_dim3A_202 = vector.shape_cast %reduce_min3A_201 : vector<64xi32> to vector<64x1xi32>
    %eq3A_203 = vector.broadcast %broadcast_in_dim3A_202 : vector<64x1xi32> to vector<64x16xi32>
    %eq3A_204 = arith.cmpi eq, %iota3A_168, %eq3A_203 : vector<64x16xi32>
    %jit3A_205 = arith.constant 0 : i32
    %broadcast_in_dim3A_206 = vector.broadcast %jit3A_205 : i32 to vector<64x16xi32>
    %select_n3A_207 = arith.select %eq3A_204, %concatenate3A_167, %broadcast_in_dim3A_206 : vector<64x16xi1>, vector<64x16xi32>
    %reduce_sum3A_208 = arith.constant dense<0> : vector<64xi32>
    %reduce_sum3A_209 = vector.multi_reduction <add>, %select_n3A_207, %reduce_sum3A_208 [1] : vector<64x16xi32> to vector<64xi32>
    %broadcast_in_dim3A_210 = vector.shape_cast %reduce_sum3A_209 : vector<64xi32> to vector<64x1xi32>
    %eq3A_211 = vector.broadcast %broadcast_in_dim3A_202 : vector<64x1xi32> to vector<64x16xi32>
    %eq3A_212 = arith.cmpi eq, %iota3A_168, %eq3A_211 : vector<64x16xi32>
    %jit3A_213 = arith.constant 0xFF800000 : f32
    %broadcast_in_dim3A_214 = vector.broadcast %jit3A_213 : f32 to vector<64x16xf32>
    %select_n3A_215 = arith.select %eq3A_212, %broadcast_in_dim3A_214, %select_n3A_191 : vector<64x16xi1>, vector<64x16xf32>
    %reduce_max3A_216 = arith.constant dense<0xFF800000> : vector<64xf32>
    %reduce_max3A_217 = vector.multi_reduction <maximumf>, %select_n3A_215, %reduce_max3A_216 [1] : vector<64x16xf32> to vector<64xf32>
    %broadcast_in_dim3A_218 = vector.shape_cast %reduce_max3A_217 : vector<64xf32> to vector<64x1xf32>
    %eq3A_219 = vector.broadcast %broadcast_in_dim3A_218 : vector<64x1xf32> to vector<64x16xf32>
    %eq3A_220 = arith.cmpf oeq, %select_n3A_215, %eq3A_219 : vector<64x16xf32>
    %jit3A_221 = arith.constant 16 : i32
    %broadcast_in_dim3A_222 = vector.broadcast %jit3A_221 : i32 to vector<64x16xi32>
    %select_n3A_223 = arith.select %eq3A_220, %iota3A_168, %broadcast_in_dim3A_222 : vector<64x16xi1>, vector<64x16xi32>
    %reduce_min3A_224 = arith.constant dense<2147483647> : vector<64xi32>
    %reduce_min3A_225 = vector.multi_reduction <minsi>, %select_n3A_223, %reduce_min3A_224 [1] : vector<64x16xi32> to vector<64xi32>
    %broadcast_in_dim3A_226 = vector.shape_cast %reduce_min3A_225 : vector<64xi32> to vector<64x1xi32>
    %eq3A_227 = vector.broadcast %broadcast_in_dim3A_226 : vector<64x1xi32> to vector<64x16xi32>
    %eq3A_228 = arith.cmpi eq, %iota3A_168, %eq3A_227 : vector<64x16xi32>
    %jit3A_229 = arith.constant 0 : i32
    %broadcast_in_dim3A_230 = vector.broadcast %jit3A_229 : i32 to vector<64x16xi32>
    %select_n3A_231 = arith.select %eq3A_228, %concatenate3A_167, %broadcast_in_dim3A_230 : vector<64x16xi1>, vector<64x16xi32>
    %reduce_sum3A_232 = arith.constant dense<0> : vector<64xi32>
    %reduce_sum3A_233 = vector.multi_reduction <add>, %select_n3A_231, %reduce_sum3A_232 [1] : vector<64x16xi32> to vector<64xi32>
    %broadcast_in_dim3A_234 = vector.shape_cast %reduce_sum3A_233 : vector<64xi32> to vector<64x1xi32>
    %eq3A_235 = vector.broadcast %broadcast_in_dim3A_226 : vector<64x1xi32> to vector<64x16xi32>
    %eq3A_236 = arith.cmpi eq, %iota3A_168, %eq3A_235 : vector<64x16xi32>
    %jit3A_237 = arith.constant 0xFF800000 : f32
    %broadcast_in_dim3A_238 = vector.broadcast %jit3A_237 : f32 to vector<64x16xf32>
    %select_n3A_239 = arith.select %eq3A_236, %broadcast_in_dim3A_238, %select_n3A_215 : vector<64x16xi1>, vector<64x16xf32>
    %reduce_max3A_240 = arith.constant dense<0xFF800000> : vector<64xf32>
    %reduce_max3A_241 = vector.multi_reduction <maximumf>, %select_n3A_239, %reduce_max3A_240 [1] : vector<64x16xf32> to vector<64xf32>
    %broadcast_in_dim3A_242 = vector.shape_cast %reduce_max3A_241 : vector<64xf32> to vector<64x1xf32>
    %eq3A_243 = vector.broadcast %broadcast_in_dim3A_242 : vector<64x1xf32> to vector<64x16xf32>
    %eq3A_244 = arith.cmpf oeq, %select_n3A_239, %eq3A_243 : vector<64x16xf32>
    %jit3A_245 = arith.constant 16 : i32
    %broadcast_in_dim3A_246 = vector.broadcast %jit3A_245 : i32 to vector<64x16xi32>
    %select_n3A_247 = arith.select %eq3A_244, %iota3A_168, %broadcast_in_dim3A_246 : vector<64x16xi1>, vector<64x16xi32>
    %reduce_min3A_248 = arith.constant dense<2147483647> : vector<64xi32>
    %reduce_min3A_249 = vector.multi_reduction <minsi>, %select_n3A_247, %reduce_min3A_248 [1] : vector<64x16xi32> to vector<64xi32>
    %broadcast_in_dim3A_250 = vector.shape_cast %reduce_min3A_249 : vector<64xi32> to vector<64x1xi32>
    %eq3A_251 = vector.broadcast %broadcast_in_dim3A_250 : vector<64x1xi32> to vector<64x16xi32>
    %eq3A_252 = arith.cmpi eq, %iota3A_168, %eq3A_251 : vector<64x16xi32>
    %jit3A_253 = arith.constant 0 : i32
    %broadcast_in_dim3A_254 = vector.broadcast %jit3A_253 : i32 to vector<64x16xi32>
    %select_n3A_255 = arith.select %eq3A_252, %concatenate3A_167, %broadcast_in_dim3A_254 : vector<64x16xi1>, vector<64x16xi32>
    %reduce_sum3A_256 = arith.constant dense<0> : vector<64xi32>
    %reduce_sum3A_257 = vector.multi_reduction <add>, %select_n3A_255, %reduce_sum3A_256 [1] : vector<64x16xi32> to vector<64xi32>
    %broadcast_in_dim3A_258 = vector.shape_cast %reduce_sum3A_257 : vector<64xi32> to vector<64x1xi32>
    %eq3A_259 = vector.broadcast %broadcast_in_dim3A_250 : vector<64x1xi32> to vector<64x16xi32>
    %eq3A_260 = arith.cmpi eq, %iota3A_168, %eq3A_259 : vector<64x16xi32>
    %jit3A_261 = arith.constant 0xFF800000 : f32
    %broadcast_in_dim3A_262 = vector.broadcast %jit3A_261 : f32 to vector<64x16xf32>
    %select_n3A_263 = arith.select %eq3A_260, %broadcast_in_dim3A_262, %select_n3A_239 : vector<64x16xi1>, vector<64x16xf32>
    %reduce_max3A_264 = arith.constant dense<0xFF800000> : vector<64xf32>
    %reduce_max3A_265 = vector.multi_reduction <maximumf>, %select_n3A_263, %reduce_max3A_264 [1] : vector<64x16xf32> to vector<64xf32>
    %broadcast_in_dim3A_266 = vector.shape_cast %reduce_max3A_265 : vector<64xf32> to vector<64x1xf32>
    %eq3A_267 = vector.broadcast %broadcast_in_dim3A_266 : vector<64x1xf32> to vector<64x16xf32>
    %eq3A_268 = arith.cmpf oeq, %select_n3A_263, %eq3A_267 : vector<64x16xf32>
    %jit3A_269 = arith.constant 16 : i32
    %broadcast_in_dim3A_270 = vector.broadcast %jit3A_269 : i32 to vector<64x16xi32>
    %select_n3A_271 = arith.select %eq3A_268, %iota3A_168, %broadcast_in_dim3A_270 : vector<64x16xi1>, vector<64x16xi32>
    %reduce_min3A_272 = arith.constant dense<2147483647> : vector<64xi32>
    %reduce_min3A_273 = vector.multi_reduction <minsi>, %select_n3A_271, %reduce_min3A_272 [1] : vector<64x16xi32> to vector<64xi32>
    %broadcast_in_dim3A_274 = vector.shape_cast %reduce_min3A_273 : vector<64xi32> to vector<64x1xi32>
    %eq3A_275 = vector.broadcast %broadcast_in_dim3A_274 : vector<64x1xi32> to vector<64x16xi32>
    %eq3A_276 = arith.cmpi eq, %iota3A_168, %eq3A_275 : vector<64x16xi32>
    %jit3A_277 = arith.constant 0 : i32
    %broadcast_in_dim3A_278 = vector.broadcast %jit3A_277 : i32 to vector<64x16xi32>
    %select_n3A_279 = arith.select %eq3A_276, %concatenate3A_167, %broadcast_in_dim3A_278 : vector<64x16xi1>, vector<64x16xi32>
    %reduce_sum3A_280 = arith.constant dense<0> : vector<64xi32>
    %reduce_sum3A_281 = vector.multi_reduction <add>, %select_n3A_279, %reduce_sum3A_280 [1] : vector<64x16xi32> to vector<64xi32>
    %broadcast_in_dim3A_282 = vector.shape_cast %reduce_sum3A_281 : vector<64xi32> to vector<64x1xi32>
    %eq3A_283 = vector.broadcast %broadcast_in_dim3A_274 : vector<64x1xi32> to vector<64x16xi32>
    %eq3A_284 = arith.cmpi eq, %iota3A_168, %eq3A_283 : vector<64x16xi32>
    %jit3A_285 = arith.constant 0xFF800000 : f32
    %broadcast_in_dim3A_286 = vector.broadcast %jit3A_285 : f32 to vector<64x16xf32>
    %select_n3A_287 = arith.select %eq3A_284, %broadcast_in_dim3A_286, %select_n3A_263 : vector<64x16xi1>, vector<64x16xf32>
    %reduce_max3A_288 = arith.constant dense<0xFF800000> : vector<64xf32>
    %reduce_max3A_289 = vector.multi_reduction <maximumf>, %select_n3A_287, %reduce_max3A_288 [1] : vector<64x16xf32> to vector<64xf32>
    %broadcast_in_dim3A_290 = vector.shape_cast %reduce_max3A_289 : vector<64xf32> to vector<64x1xf32>
    %eq3A_291 = vector.broadcast %broadcast_in_dim3A_290 : vector<64x1xf32> to vector<64x16xf32>
    %eq3A_292 = arith.cmpf oeq, %select_n3A_287, %eq3A_291 : vector<64x16xf32>
    %jit3A_293 = arith.constant 16 : i32
    %broadcast_in_dim3A_294 = vector.broadcast %jit3A_293 : i32 to vector<64x16xi32>
    %select_n3A_295 = arith.select %eq3A_292, %iota3A_168, %broadcast_in_dim3A_294 : vector<64x16xi1>, vector<64x16xi32>
    %reduce_min3A_296 = arith.constant dense<2147483647> : vector<64xi32>
    %reduce_min3A_297 = vector.multi_reduction <minsi>, %select_n3A_295, %reduce_min3A_296 [1] : vector<64x16xi32> to vector<64xi32>
    %broadcast_in_dim3A_298 = vector.shape_cast %reduce_min3A_297 : vector<64xi32> to vector<64x1xi32>
    %eq3A_299 = vector.broadcast %broadcast_in_dim3A_298 : vector<64x1xi32> to vector<64x16xi32>
    %eq3A_300 = arith.cmpi eq, %iota3A_168, %eq3A_299 : vector<64x16xi32>
    %jit3A_301 = arith.constant 0 : i32
    %broadcast_in_dim3A_302 = vector.broadcast %jit3A_301 : i32 to vector<64x16xi32>
    %select_n3A_303 = arith.select %eq3A_300, %concatenate3A_167, %broadcast_in_dim3A_302 : vector<64x16xi1>, vector<64x16xi32>
    %reduce_sum3A_304 = arith.constant dense<0> : vector<64xi32>
    %reduce_sum3A_305 = vector.multi_reduction <add>, %select_n3A_303, %reduce_sum3A_304 [1] : vector<64x16xi32> to vector<64xi32>
    %broadcast_in_dim3A_306 = vector.shape_cast %reduce_sum3A_305 : vector<64xi32> to vector<64x1xi32>
    %eq3A_307 = vector.broadcast %broadcast_in_dim3A_298 : vector<64x1xi32> to vector<64x16xi32>
    %eq3A_308 = arith.cmpi eq, %iota3A_168, %eq3A_307 : vector<64x16xi32>
    %jit3A_309 = arith.constant 0xFF800000 : f32
    %broadcast_in_dim3A_310 = vector.broadcast %jit3A_309 : f32 to vector<64x16xf32>
    %select_n3A_311 = arith.select %eq3A_308, %broadcast_in_dim3A_310, %select_n3A_287 : vector<64x16xi1>, vector<64x16xf32>
    %reduce_max3A_312 = arith.constant dense<0xFF800000> : vector<64xf32>
    %reduce_max3A_313 = vector.multi_reduction <maximumf>, %select_n3A_311, %reduce_max3A_312 [1] : vector<64x16xf32> to vector<64xf32>
    %broadcast_in_dim3A_314 = vector.shape_cast %reduce_max3A_313 : vector<64xf32> to vector<64x1xf32>
    %eq3A_315 = vector.broadcast %broadcast_in_dim3A_314 : vector<64x1xf32> to vector<64x16xf32>
    %eq3A_316 = arith.cmpf oeq, %select_n3A_311, %eq3A_315 : vector<64x16xf32>
    %jit3A_317 = arith.constant 16 : i32
    %broadcast_in_dim3A_318 = vector.broadcast %jit3A_317 : i32 to vector<64x16xi32>
    %select_n3A_319 = arith.select %eq3A_316, %iota3A_168, %broadcast_in_dim3A_318 : vector<64x16xi1>, vector<64x16xi32>
    %reduce_min3A_320 = arith.constant dense<2147483647> : vector<64xi32>
    %reduce_min3A_321 = vector.multi_reduction <minsi>, %select_n3A_319, %reduce_min3A_320 [1] : vector<64x16xi32> to vector<64xi32>
    %broadcast_in_dim3A_322 = vector.shape_cast %reduce_min3A_321 : vector<64xi32> to vector<64x1xi32>
    %eq3A_323 = vector.broadcast %broadcast_in_dim3A_322 : vector<64x1xi32> to vector<64x16xi32>
    %eq3A_324 = arith.cmpi eq, %iota3A_168, %eq3A_323 : vector<64x16xi32>
    %jit3A_325 = arith.constant 0 : i32
    %broadcast_in_dim3A_326 = vector.broadcast %jit3A_325 : i32 to vector<64x16xi32>
    %select_n3A_327 = arith.select %eq3A_324, %concatenate3A_167, %broadcast_in_dim3A_326 : vector<64x16xi1>, vector<64x16xi32>
    %reduce_sum3A_328 = arith.constant dense<0> : vector<64xi32>
    %reduce_sum3A_329 = vector.multi_reduction <add>, %select_n3A_327, %reduce_sum3A_328 [1] : vector<64x16xi32> to vector<64xi32>
    %broadcast_in_dim3A_330 = vector.shape_cast %reduce_sum3A_329 : vector<64xi32> to vector<64x1xi32>
    %eq3A_331 = vector.broadcast %broadcast_in_dim3A_322 : vector<64x1xi32> to vector<64x16xi32>
    %eq3A_332 = arith.cmpi eq, %iota3A_168, %eq3A_331 : vector<64x16xi32>
    %jit3A_333 = arith.constant 0xFF800000 : f32
    %broadcast_in_dim3A_334 = vector.broadcast %jit3A_333 : f32 to vector<64x16xf32>
    %select_n3A_335 = arith.select %eq3A_332, %broadcast_in_dim3A_334, %select_n3A_311 : vector<64x16xi1>, vector<64x16xf32>
    %reduce_max3A_336 = arith.constant dense<0xFF800000> : vector<64xf32>
    %reduce_max3A_337 = vector.multi_reduction <maximumf>, %select_n3A_335, %reduce_max3A_336 [1] : vector<64x16xf32> to vector<64xf32>
    %broadcast_in_dim3A_338 = vector.shape_cast %reduce_max3A_337 : vector<64xf32> to vector<64x1xf32>
    %eq3A_339 = vector.broadcast %broadcast_in_dim3A_338 : vector<64x1xf32> to vector<64x16xf32>
    %eq3A_340 = arith.cmpf oeq, %select_n3A_335, %eq3A_339 : vector<64x16xf32>
    %jit3A_341 = arith.constant 16 : i32
    %broadcast_in_dim3A_342 = vector.broadcast %jit3A_341 : i32 to vector<64x16xi32>
    %select_n3A_343 = arith.select %eq3A_340, %iota3A_168, %broadcast_in_dim3A_342 : vector<64x16xi1>, vector<64x16xi32>
    %reduce_min3A_344 = arith.constant dense<2147483647> : vector<64xi32>
    %reduce_min3A_345 = vector.multi_reduction <minsi>, %select_n3A_343, %reduce_min3A_344 [1] : vector<64x16xi32> to vector<64xi32>
    %broadcast_in_dim3A_346 = vector.shape_cast %reduce_min3A_345 : vector<64xi32> to vector<64x1xi32>
    %eq3A_347 = vector.broadcast %broadcast_in_dim3A_346 : vector<64x1xi32> to vector<64x16xi32>
    %eq3A_348 = arith.cmpi eq, %iota3A_168, %eq3A_347 : vector<64x16xi32>
    %jit3A_349 = arith.constant 0 : i32
    %broadcast_in_dim3A_350 = vector.broadcast %jit3A_349 : i32 to vector<64x16xi32>
    %select_n3A_351 = arith.select %eq3A_348, %concatenate3A_167, %broadcast_in_dim3A_350 : vector<64x16xi1>, vector<64x16xi32>
    %reduce_sum3A_352 = arith.constant dense<0> : vector<64xi32>
    %reduce_sum3A_353 = vector.multi_reduction <add>, %select_n3A_351, %reduce_sum3A_352 [1] : vector<64x16xi32> to vector<64xi32>
    %broadcast_in_dim3A_354 = vector.shape_cast %reduce_sum3A_353 : vector<64xi32> to vector<64x1xi32>
    %concatenate3A_355 = tpu.concatenate %broadcast_in_dim3A_171, %broadcast_in_dim3A_194, %broadcast_in_dim3A_218, %broadcast_in_dim3A_242, %broadcast_in_dim3A_266, %broadcast_in_dim3A_290, %broadcast_in_dim3A_314, %broadcast_in_dim3A_338 in 1 : vector<64x1xf32>, vector<64x1xf32>, vector<64x1xf32>, vector<64x1xf32>, vector<64x1xf32>, vector<64x1xf32>, vector<64x1xf32>, vector<64x1xf32> -> vector<64x8xf32>
    %swap3A = arith.constant 0 : index
    %swap3A_356 = arith.constant 0 : index
    %swap3A_357 = vector.load %arg11[%swap3A, %swap3A_356] : memref<64x8xf32, #tpu.memory_space<vmem>>, vector<64x8xf32>
    tpu.vector_store %arg11[%swap3A, %swap3A_356], %concatenate3A_355 {strides = array<i32>} : memref<64x8xf32, #tpu.memory_space<vmem>>, vector<64x8xf32>,
    %concatenate3A_358 = tpu.concatenate %broadcast_in_dim3A_186, %broadcast_in_dim3A_210, %broadcast_in_dim3A_234, %broadcast_in_dim3A_258, %broadcast_in_dim3A_282, %broadcast_in_dim3A_306, %broadcast_in_dim3A_330, %broadcast_in_dim3A_354 in 1 : vector<64x1xi32>, vector<64x1xi32>, vector<64x1xi32>, vector<64x1xi32>, vector<64x1xi32>, vector<64x1xi32>, vector<64x1xi32>, vector<64x1xi32> -> vector<64x8xi32>
    %swap3A_359 = arith.constant 0 : index
    %swap3A_360 = arith.constant 0 : index
    %swap3A_361 = vector.load %arg12[%swap3A_359, %swap3A_360] : memref<64x8xi32, #tpu.memory_space<vmem>>, vector<64x8xi32>
    tpu.vector_store %arg12[%swap3A_359, %swap3A_360], %concatenate3A_358 {strides = array<i32>} : memref<64x8xi32, #tpu.memory_space<vmem>>, vector<64x8xi32>,
    %eq3A_362 = arith.constant 49 : i32
    %eq3A_363 = arith.cmpi eq, %arg0, %eq3A_362 : i32
    %convert_element_type3A_364 = arith.extui %eq3A_363 : i1 to i32
    %cond3A_365 = arith.constant 0 : i32
    %cond3A_366 = arith.cmpi ne, %convert_element_type3A_364, %cond3A_365 : i32
    scf.if %cond3A_366 {
      %get3A_367 = arith.constant 0 : index
      %get3A_368 = arith.constant 0 : index
      %get3A_369 = vector.load %arg3[%get3A_367, %get3A_368] : memref<1024x1xi32, #tpu.memory_space<vmem>>, vector<1024x1xi32>
      %gt3A = arith.constant 0 : i32
      %gt3A_370 = vector.broadcast %gt3A : i32 to vector<1024x1xi32>
      %gt3A_371 = arith.cmpi sgt, %get3A_369, %gt3A_370 : vector<1024x1xi32>
      %get3A_372 = arith.constant 0 : index
      %get3A_373 = arith.constant 0 : index
      %get3A_374 = vector.load %arg10[%get3A_372, %get3A_373] : memref<1024x1xi32, #tpu.memory_space<vmem>>, vector<1024x1xi32>
      %iota3A_375 = tpu.iota {dimensions = array<i32: 1>} : vector<1024x64xi32>
      %eq3A_376 = vector.broadcast %get3A_374 : vector<1024x1xi32> to vector<1024x64xi32>
      %eq3A_377 = arith.cmpi eq, %eq3A_376, %iota3A_375 : vector<1024x64xi32>
      %and3A = vector.broadcast %gt3A_371 : vector<1024x1xi1> to vector<1024x64xi1>
      %and3A_378 = arith.andi %eq3A_377, %and3A : vector<1024x64xi1>
      %convert_element_type3A_379 = arith.extui %and3A_378 : vector<1024x64xi1> to vector<1024x64xi32>
      %convert_element_type3A_380 = arith.sitofp %convert_element_type3A_379 : vector<1024x64xi32> to vector<1024x64xf32>
      %get3A_381 = arith.constant 0 : index
      %get3A_382 = arith.constant 0 : index
      %get3A_383 = vector.load %arg11[%get3A_381, %get3A_382] : memref<64x8xf32, #tpu.memory_space<vmem>>, vector<64x8xf32>
      %dot_general3A_384 = arith.constant dense<0.000000e+00> : vector<1024x8xf32>
      %dot_general3A_385 = tpu.matmul %convert_element_type3A_380, %get3A_383, %dot_general3A_384 {dimension_numbers = #tpu.dot_dimension_numbers<[1], [0], [0], [1], [0, 0, 1, 1], [], []>, precision = #tpu.contract_precision<fp32>, transpose_lhs_hint = false} : vector<1024x64xf32>, vector<64x8xf32>, vector<1024x8xf32> -> vector<1024x8xf32>
      %get3A_386 = arith.constant 0 : index
      %get3A_387 = arith.constant 0 : index
      %get3A_388 = vector.load %arg12[%get3A_386, %get3A_387] : memref<64x8xi32, #tpu.memory_space<vmem>>, vector<64x8xi32>
      %convert_element_type3A_389 = arith.sitofp %get3A_388 : vector<64x8xi32> to vector<64x8xf32>
      %dot_general3A_390 = arith.constant dense<0.000000e+00> : vector<1024x8xf32>
      %dot_general3A_391 = tpu.matmul %convert_element_type3A_380, %convert_element_type3A_389, %dot_general3A_390 {dimension_numbers = #tpu.dot_dimension_numbers<[1], [0], [0], [1], [0, 0, 1, 1], [], []>, precision = #tpu.contract_precision<fp32>, transpose_lhs_hint = false} : vector<1024x64xf32>, vector<64x8xf32>, vector<1024x8xf32> -> vector<1024x8xf32>
      %convert_element_type3A_392 = arith.fptosi %dot_general3A_391 : vector<1024x8xf32> to vector<1024x8xi32>
      %lt3A = arith.constant 64 : i32
      %lt3A_393 = vector.broadcast %lt3A : i32 to vector<1024x1xi32>
      %lt3A_394 = arith.cmpi slt, %get3A_374, %lt3A_393 : vector<1024x1xi32>
      %and3A_395 = arith.andi %gt3A_371, %lt3A_394 : vector<1024x1xi1>
      %get3A_396 = arith.constant 0 : index
      %get3A_397 = arith.constant 0 : index
      %get3A_398 = vector.load %arg4[%get3A_396, %get3A_397] : memref<1024x8xf32, #tpu.memory_space<vmem>>, vector<1024x8xf32>
      %broadcast_in_dim3A_399 = vector.shape_cast %and3A_395 : vector<1024x1xi1> to vector<1024x1xi1>
      %broadcast_in_dim3A_400 = vector.broadcast %broadcast_in_dim3A_399 : vector<1024x1xi1> to vector<1024x8xi1>
      %select_n3A_401 = arith.select %broadcast_in_dim3A_400, %dot_general3A_385, %get3A_398 : vector<1024x8xi1>, vector<1024x8xf32>
      %swap3A_402 = arith.constant 0 : index
      %swap3A_403 = arith.constant 0 : index
      %swap3A_404 = vector.load %arg7[%swap3A_402, %swap3A_403] : memref<1024x8xf32, #tpu.memory_space<vmem>>, vector<1024x8xf32>
      tpu.vector_store %arg7[%swap3A_402, %swap3A_403], %select_n3A_401 {strides = array<i32>} : memref<1024x8xf32, #tpu.memory_space<vmem>>, vector<1024x8xf32>,
      %get3A_405 = arith.constant 0 : index
      %get3A_406 = arith.constant 0 : index
      %get3A_407 = vector.load %arg5[%get3A_405, %get3A_406] : memref<1024x8xi32, #tpu.memory_space<vmem>>, vector<1024x8xi32>
      %broadcast_in_dim3A_408 = vector.shape_cast %and3A_395 : vector<1024x1xi1> to vector<1024x1xi1>
      %broadcast_in_dim3A_409 = vector.broadcast %broadcast_in_dim3A_408 : vector<1024x1xi1> to vector<1024x8xi1>
      %select_n3A_410 = arith.select %broadcast_in_dim3A_409, %convert_element_type3A_392, %get3A_407 : vector<1024x8xi1>, vector<1024x8xi32>
      %swap3A_411 = arith.constant 0 : index
      %swap3A_412 = arith.constant 0 : index
      %swap3A_413 = vector.load %arg8[%swap3A_411, %swap3A_412] : memref<1024x8xi32, #tpu.memory_space<vmem>>, vector<1024x8xi32>
      tpu.vector_store %arg8[%swap3A_411, %swap3A_412], %select_n3A_410 {strides = array<i32>} : memref<1024x8xi32, #tpu.memory_space<vmem>>, vector<1024x8xi32>,
    } else {
    }
    return
  }
  func.func @transform_0(%arg0: i32) -> (i32, i32) {
    %c0_i32 = arith.constant 0 : i32
    %c0_i32_0 = arith.constant 0 : i32
    return %arg0, %c0_i32 : i32, i32
  }
  func.func @transform_1(%arg0: i32) -> (i32, i32) {
    %c0_i32 = arith.constant 0 : i32
    %c0_i32_0 = arith.constant 0 : i32
    %c0_i32_1 = arith.constant 0 : i32
    return %c0_i32, %c0_i32_0 : i32, i32
  }
  func.func @transform_2(%arg0: i32) -> (i32, i32) {
    %c0_i32 = arith.constant 0 : i32
    %c0_i32_0 = arith.constant 0 : i32
    %c0_i32_1 = arith.constant 0 : i32
    return %c0_i32, %c0_i32_0 : i32, i32
  }
  func.func @transform_3(%arg0: i32) -> (i32, i32) {
    %c0_i32 = arith.constant 0 : i32
    %c0_i32_0 = arith.constant 0 : i32
    %c0_i32_1 = arith.constant 0 : i32
    return %c0_i32, %c0_i32_0 : i32, i32
  }
  func.func @transform_4(%arg0: i32) -> (i32, i32) {
    %c0_i32 = arith.constant 0 : i32
    %c0_i32_0 = arith.constant 0 : i32
    %c0_i32_1 = arith.constant 0 : i32
    return %c0_i32, %c0_i32_0 : i32, i32
  }
  func.func @transform_5(%arg0: i32) -> (i32, i32) {
    %c0_i32 = arith.constant 0 : i32
    %c0_i32_0 = arith.constant 0 : i32
    %c0_i32_1 = arith.constant 0 : i32
    return %c0_i32, %c0_i32_0 : i32, i32
  }
  func.func @transform_6(%arg0: i32) -> (i32, i32) {
    %c0_i32 = arith.constant 0 : i32
    %c0_i32_0 = arith.constant 0 : i32
    %c0_i32_1 = arith.constant 0 : i32
    return %c0_i32, %c0_i32_0 : i32, i32
  }
  func.func @transform_7(%arg0: i32) -> (i32, i32) {
    %c0_i32 = arith.constant 0 : i32
    %c0_i32_0 = arith.constant 0 : i32
    %c0_i32_1 = arith.constant 0 : i32
    return %c0_i32, %c0_i32_0 : i32, i32
  }
}

module attributes {stable_mosaic.version = 14 : i64} {
  func.func @_main_body(%arg0: i32, %arg1: memref<1000x4x128xf32, #tpu.memory_space<vmem>>, %arg2: memref<1024x128xf32, #tpu.memory_space<vmem>>, %arg3: memref<128x128xf32, #tpu.memory_space<vmem>>, %arg4: memref<1x128xf32, #tpu.memory_space<vmem>>, %arg5: memref<128x128xf32, #tpu.memory_space<vmem>>, %arg6: memref<1x128xf32, #tpu.memory_space<vmem>>, %arg7: memref<1x128xf32, #tpu.memory_space<vmem>>, %arg8: memref<1x128xf32, #tpu.memory_space<vmem>>, %arg9: memref<128x128xf32, #tpu.memory_space<vmem>>, %arg10: memref<1x128xf32, #tpu.memory_space<vmem>>, %arg11: memref<1x1xf32, #tpu.memory_space<vmem>>, %arg12: memref<1024x8xf32, #tpu.memory_space<vmem>>, %arg13: memref<1024x8xi32, #tpu.memory_space<vmem>>, %arg14: memref<1024x1xi32, #tpu.memory_space<vmem>>, %arg15: memref<1000x128xf32, #tpu.memory_space<vmem>>, %arg16: memref<1024x1000xf32, #tpu.memory_space<vmem>>, %arg17: memref<1024x1000xi32, #tpu.memory_space<vmem>>, %arg18: memref<1024x1000xf32, #tpu.memory_space<vmem>>) attributes {dimension_semantics = [#tpu.dimension_semantics<arbitrary>], iteration_bounds = array<i64: 100>, scalar_prefetch = 0 : i64, scratch_operands = 3 : i64, tpu.core_type = #tpu.core_type<tc>, window_params = [{transform_indices = @transform_0, window_bounds = array<i64: 1000, 4, 128>}, {pipeline_mode = #tpu.pipeline_mode<synchronous>, transform_indices = @transform_1, window_bounds = array<i64: 1024, 128>}, {pipeline_mode = #tpu.pipeline_mode<synchronous>, transform_indices = @transform_2, window_bounds = array<i64: 128, 128>}, {pipeline_mode = #tpu.pipeline_mode<synchronous>, transform_indices = @transform_3, window_bounds = array<i64: 1, 128>}, {pipeline_mode = #tpu.pipeline_mode<synchronous>, transform_indices = @transform_4, window_bounds = array<i64: 128, 128>}, {pipeline_mode = #tpu.pipeline_mode<synchronous>, transform_indices = @transform_5, window_bounds = array<i64: 1, 128>}, {pipeline_mode = #tpu.pipeline_mode<synchronous>, transform_indices = @transform_6, window_bounds = array<i64: 1, 128>}, {pipeline_mode = #tpu.pipeline_mode<synchronous>, transform_indices = @transform_7, window_bounds = array<i64: 1, 128>}, {pipeline_mode = #tpu.pipeline_mode<synchronous>, transform_indices = @transform_8, window_bounds = array<i64: 128, 128>}, {pipeline_mode = #tpu.pipeline_mode<synchronous>, transform_indices = @transform_9, window_bounds = array<i64: 1, 128>}, {pipeline_mode = #tpu.pipeline_mode<synchronous>, transform_indices = @transform_10, window_bounds = array<i64: 1, 1>}, {pipeline_mode = #tpu.pipeline_mode<synchronous>, transform_indices = @transform_11, window_bounds = array<i64: 1024, 8>}, {pipeline_mode = #tpu.pipeline_mode<synchronous>, transform_indices = @transform_12, window_bounds = array<i64: 1024, 8>}, {pipeline_mode = #tpu.pipeline_mode<synchronous>, transform_indices = @transform_13, window_bounds = array<i64: 1024, 1>}, {transform_indices = @transform_14, window_bounds = array<i64: 1000, 128>}]} {
    %eq3A = arith.constant 0 : i32
    %eq3A_0 = arith.cmpi eq, %arg0, %eq3A : i32
    %convert_element_type3A = arith.extui %eq3A_0 : i1 to i32
    %cond3A = arith.constant 0 : i32
    %cond3A_1 = arith.cmpi ne, %convert_element_type3A, %cond3A : i32
    scf.if %cond3A_1 {
      %broadcast_in_dim3A_127 = arith.constant 0xFF800000 : f32
      %broadcast_in_dim3A_128 = vector.broadcast %broadcast_in_dim3A_127 : f32 to vector<1024x1000xf32>
      %swap3A_129 = arith.constant 0 : index
      %swap3A_130 = arith.constant 0 : index
      %swap3A_131 = vector.load %arg16[%swap3A_129, %swap3A_130] : memref<1024x1000xf32, #tpu.memory_space<vmem>>, vector<1024x1000xf32>
      tpu.vector_store %arg16[%swap3A_129, %swap3A_130], %broadcast_in_dim3A_128 {strides = array<i32>} : memref<1024x1000xf32, #tpu.memory_space<vmem>>, vector<1024x1000xf32>,
      %broadcast_in_dim3A_132 = arith.constant 0 : i32
      %broadcast_in_dim3A_133 = vector.broadcast %broadcast_in_dim3A_132 : i32 to vector<1024x1000xi32>
      %swap3A_134 = arith.constant 0 : index
      %swap3A_135 = arith.constant 0 : index
      %swap3A_136 = vector.load %arg17[%swap3A_134, %swap3A_135] : memref<1024x1000xi32, #tpu.memory_space<vmem>>, vector<1024x1000xi32>
      tpu.vector_store %arg17[%swap3A_134, %swap3A_135], %broadcast_in_dim3A_133 {strides = array<i32>} : memref<1024x1000xi32, #tpu.memory_space<vmem>>, vector<1024x1000xi32>,
      %broadcast_in_dim3A_137 = arith.constant 0xFF800000 : f32
      %broadcast_in_dim3A_138 = vector.broadcast %broadcast_in_dim3A_137 : f32 to vector<1024x1000xf32>
      %swap3A_139 = arith.constant 0 : index
      %swap3A_140 = arith.constant 0 : index
      %swap3A_141 = vector.load %arg18[%swap3A_139, %swap3A_140] : memref<1024x1000xf32, #tpu.memory_space<vmem>>, vector<1024x1000xf32>
      tpu.vector_store %arg18[%swap3A_139, %swap3A_140], %broadcast_in_dim3A_138 {strides = array<i32>} : memref<1024x1000xf32, #tpu.memory_space<vmem>>, vector<1024x1000xf32>,
    } else {
    }
    %get3A = arith.constant 0 : index
    %get3A_2 = arith.constant 0 : index
    %get3A_3 = arith.constant 0 : index
    %get3A_4 = vector.load %arg1[%get3A, %get3A_2, %get3A_3] : memref<1000x4x128xf32, #tpu.memory_space<vmem>>, vector<1000x4x128xf32>
    %slice3A = vector.extract_strided_slice %get3A_4 {offsets = [0, 0, 0], sizes = [1000, 1, 128], strides = [1, 1, 1]} : vector<1000x4x128xf32> to vector<1000x1x128xf32>
    %squeeze3A = vector.shape_cast %slice3A : vector<1000x1x128xf32> to vector<1000x128xf32>
    %slice3A_5 = vector.extract_strided_slice %get3A_4 {offsets = [0, 1, 0], sizes = [1000, 1, 128], strides = [1, 1, 1]} : vector<1000x4x128xf32> to vector<1000x1x128xf32>
    %squeeze3A_6 = vector.shape_cast %slice3A_5 : vector<1000x1x128xf32> to vector<1000x128xf32>
    %add3A = arith.addf %squeeze3A, %squeeze3A_6 : vector<1000x128xf32>
    %slice3A_7 = vector.extract_strided_slice %get3A_4 {offsets = [0, 2, 0], sizes = [1000, 1, 128], strides = [1, 1, 1]} : vector<1000x4x128xf32> to vector<1000x1x128xf32>
    %squeeze3A_8 = vector.shape_cast %slice3A_7 : vector<1000x1x128xf32> to vector<1000x128xf32>
    %add3A_9 = arith.addf %add3A, %squeeze3A_8 : vector<1000x128xf32>
    %slice3A_10 = vector.extract_strided_slice %get3A_4 {offsets = [0, 3, 0], sizes = [1000, 1, 128], strides = [1, 1, 1]} : vector<1000x4x128xf32> to vector<1000x1x128xf32>
    %squeeze3A_11 = vector.shape_cast %slice3A_10 : vector<1000x1x128xf32> to vector<1000x128xf32>
    %add3A_12 = arith.addf %add3A_9, %squeeze3A_11 : vector<1000x128xf32>
    %mul3A = arith.constant 2.500000e-01 : f32
    %mul3A_13 = vector.broadcast %mul3A : f32 to vector<1000x128xf32>
    %mul3A_14 = arith.mulf %add3A_12, %mul3A_13 : vector<1000x128xf32>
    %get3A_15 = arith.constant 0 : index
    %get3A_16 = arith.constant 0 : index
    %get3A_17 = vector.load %arg3[%get3A_15, %get3A_16] : memref<128x128xf32, #tpu.memory_space<vmem>>, vector<128x128xf32>
    %get3A_18 = arith.constant 0 : index
    %get3A_19 = arith.constant 0 : index
    %get3A_20 = vector.load %arg4[%get3A_18, %get3A_19] : memref<1x128xf32, #tpu.memory_space<vmem>>, vector<1x128xf32>
    %get3A_21 = arith.constant 0 : index
    %get3A_22 = arith.constant 0 : index
    %get3A_23 = vector.load %arg5[%get3A_21, %get3A_22] : memref<128x128xf32, #tpu.memory_space<vmem>>, vector<128x128xf32>
    %get3A_24 = arith.constant 0 : index
    %get3A_25 = arith.constant 0 : index
    %get3A_26 = vector.load %arg6[%get3A_24, %get3A_25] : memref<1x128xf32, #tpu.memory_space<vmem>>, vector<1x128xf32>
    %get3A_27 = arith.constant 0 : index
    %get3A_28 = arith.constant 0 : index
    %get3A_29 = vector.load %arg7[%get3A_27, %get3A_28] : memref<1x128xf32, #tpu.memory_space<vmem>>, vector<1x128xf32>
    %get3A_30 = arith.constant 0 : index
    %get3A_31 = arith.constant 0 : index
    %get3A_32 = vector.load %arg8[%get3A_30, %get3A_31] : memref<1x128xf32, #tpu.memory_space<vmem>>, vector<1x128xf32>
    %get3A_33 = arith.constant 0 : index
    %get3A_34 = arith.constant 0 : index
    %get3A_35 = vector.load %arg9[%get3A_33, %get3A_34] : memref<128x128xf32, #tpu.memory_space<vmem>>, vector<128x128xf32>
    %get3A_36 = arith.constant 0 : index
    %get3A_37 = arith.constant 0 : index
    %get3A_38 = vector.load %arg10[%get3A_36, %get3A_37] : memref<1x128xf32, #tpu.memory_space<vmem>>, vector<1x128xf32>
    %dot_general3A = arith.constant dense<0.000000e+00> : vector<1000x128xf32>
    %dot_general3A_39 = tpu.matmul %mul3A_14, %get3A_17, %dot_general3A {dimension_numbers = #tpu.dot_dimension_numbers<[1], [0], [0], [1], [0, 0, 1, 1], [], []>, transpose_lhs_hint = false} : vector<1000x128xf32>, vector<128x128xf32>, vector<1000x128xf32> -> vector<1000x128xf32>
    %add3A_40 = vector.broadcast %get3A_20 : vector<1x128xf32> to vector<1000x128xf32>
    %add3A_41 = arith.addf %dot_general3A_39, %add3A_40 : vector<1000x128xf32>
    %max3A = arith.constant 0.000000e+00 : f32
    %max3A_42 = vector.broadcast %max3A : f32 to vector<1000x128xf32>
    %max3A_43 = arith.maximumf %add3A_41, %max3A_42 : vector<1000x128xf32>
    %dot_general3A_44 = arith.constant dense<0.000000e+00> : vector<1000x128xf32>
    %dot_general3A_45 = tpu.matmul %max3A_43, %get3A_23, %dot_general3A_44 {dimension_numbers = #tpu.dot_dimension_numbers<[1], [0], [0], [1], [0, 0, 1, 1], [], []>, transpose_lhs_hint = false} : vector<1000x128xf32>, vector<128x128xf32>, vector<1000x128xf32> -> vector<1000x128xf32>
    %add3A_46 = vector.broadcast %get3A_26 : vector<1x128xf32> to vector<1000x128xf32>
    %add3A_47 = arith.addf %dot_general3A_45, %add3A_46 : vector<1000x128xf32>
    %reduce_sum3A = arith.constant dense<0.000000e+00> : vector<1000xf32>
    %reduce_sum3A_48 = vector.multi_reduction <add>, %add3A_47, %reduce_sum3A [1] : vector<1000x128xf32> to vector<1000xf32>
    %broadcast_in_dim3A = vector.shape_cast %reduce_sum3A_48 : vector<1000xf32> to vector<1000x1xf32>
    %div3A = arith.constant 1.280000e+02 : f32
    %div3A_49 = vector.broadcast %div3A : f32 to vector<1000x1xf32>
    %div3A_50 = arith.divf %broadcast_in_dim3A, %div3A_49 : vector<1000x1xf32>
    %sub3A = vector.broadcast %div3A_50 : vector<1000x1xf32> to vector<1000x128xf32>
    %sub3A_51 = arith.subf %add3A_47, %sub3A : vector<1000x128xf32>
    %sub3A_52 = vector.broadcast %div3A_50 : vector<1000x1xf32> to vector<1000x128xf32>
    %sub3A_53 = arith.subf %add3A_47, %sub3A_52 : vector<1000x128xf32>
    %mul3A_54 = arith.mulf %sub3A_51, %sub3A_53 : vector<1000x128xf32>
    %reduce_sum3A_55 = arith.constant dense<0.000000e+00> : vector<1000xf32>
    %reduce_sum3A_56 = vector.multi_reduction <add>, %mul3A_54, %reduce_sum3A_55 [1] : vector<1000x128xf32> to vector<1000xf32>
    %broadcast_in_dim3A_57 = vector.shape_cast %reduce_sum3A_56 : vector<1000xf32> to vector<1000x1xf32>
    %div3A_58 = arith.constant 1.280000e+02 : f32
    %div3A_59 = vector.broadcast %div3A_58 : f32 to vector<1000x1xf32>
    %div3A_60 = arith.divf %broadcast_in_dim3A_57, %div3A_59 : vector<1000x1xf32>
    %sub3A_61 = vector.broadcast %div3A_50 : vector<1000x1xf32> to vector<1000x128xf32>
    %sub3A_62 = arith.subf %add3A_47, %sub3A_61 : vector<1000x128xf32>
    %add3A_63 = arith.constant 9.99999974E-6 : f32
    %add3A_64 = vector.broadcast %add3A_63 : f32 to vector<1000x1xf32>
    %add3A_65 = arith.addf %div3A_60, %add3A_64 : vector<1000x1xf32>
    %sqrt3A = math.sqrt %add3A_65 : vector<1000x1xf32>
    %div3A_66 = vector.broadcast %sqrt3A : vector<1000x1xf32> to vector<1000x128xf32>
    %div3A_67 = arith.divf %sub3A_62, %div3A_66 : vector<1000x128xf32>
    %mul3A_68 = vector.broadcast %get3A_29 : vector<1x128xf32> to vector<1000x128xf32>
    %mul3A_69 = arith.mulf %div3A_67, %mul3A_68 : vector<1000x128xf32>
    %add3A_70 = vector.broadcast %get3A_32 : vector<1x128xf32> to vector<1000x128xf32>
    %add3A_71 = arith.addf %mul3A_69, %add3A_70 : vector<1000x128xf32>
    %dot_general3A_72 = arith.constant dense<0.000000e+00> : vector<1000x128xf32>
    %dot_general3A_73 = tpu.matmul %add3A_71, %get3A_35, %dot_general3A_72 {dimension_numbers = #tpu.dot_dimension_numbers<[1], [0], [0], [1], [0, 0, 1, 1], [], []>, transpose_lhs_hint = false} : vector<1000x128xf32>, vector<128x128xf32>, vector<1000x128xf32> -> vector<1000x128xf32>
    %add3A_74 = vector.broadcast %get3A_38 : vector<1x128xf32> to vector<1000x128xf32>
    %add3A_75 = arith.addf %dot_general3A_73, %add3A_74 : vector<1000x128xf32>
    %mul3A_76 = arith.mulf %add3A_75, %add3A_75 : vector<1000x128xf32>
    %reduce_sum3A_77 = arith.constant dense<0.000000e+00> : vector<1000xf32>
    %reduce_sum3A_78 = vector.multi_reduction <add>, %mul3A_76, %reduce_sum3A_77 [1] : vector<1000x128xf32> to vector<1000xf32>
    %broadcast_in_dim3A_79 = vector.shape_cast %reduce_sum3A_78 : vector<1000xf32> to vector<1000x1xf32>
    %sqrt3A_80 = math.sqrt %broadcast_in_dim3A_79 : vector<1000x1xf32>
    %max3A_81 = arith.constant 9.99999996E-13 : f32
    %max3A_82 = vector.broadcast %max3A_81 : f32 to vector<1000x1xf32>
    %max3A_83 = arith.maximumf %sqrt3A_80, %max3A_82 : vector<1000x1xf32>
    %div3A_84 = vector.broadcast %max3A_83 : vector<1000x1xf32> to vector<1000x128xf32>
    %div3A_85 = arith.divf %add3A_75, %div3A_84 : vector<1000x128xf32>
    %swap3A = arith.constant 0 : index
    %swap3A_86 = arith.constant 0 : index
    %swap3A_87 = vector.load %arg15[%swap3A, %swap3A_86] : memref<1000x128xf32, #tpu.memory_space<vmem>>, vector<1000x128xf32>
    tpu.vector_store %arg15[%swap3A, %swap3A_86], %div3A_85 {strides = array<i32>} : memref<1000x128xf32, #tpu.memory_space<vmem>>, vector<1000x128xf32>,
    %get3A_88 = arith.constant 0 : index
    %get3A_89 = arith.constant 0 : index
    %get3A_90 = vector.load %arg2[%get3A_88, %get3A_89] : memref<1024x128xf32, #tpu.memory_space<vmem>>, vector<1024x128xf32>
    %dot_general3A_91 = arith.constant dense<0.000000e+00> : vector<1024x1000xf32>
    %dot_general3A_92 = tpu.matmul %get3A_90, %div3A_85, %dot_general3A_91 {dimension_numbers = #tpu.dot_dimension_numbers<[1], [1], [0], [0], [0, 0, 1, 0], [], []>, transpose_lhs_hint = false} : vector<1024x128xf32>, vector<1000x128xf32>, vector<1024x1000xf32> -> vector<1024x1000xf32>
    %get3A_93 = arith.constant 0 : index
    %get3A_94 = arith.constant 0 : index
    %get3A_95 = vector.load %arg11[%get3A_93, %get3A_94] : memref<1x1xf32, #tpu.memory_space<vmem>>, vector<1x1xf32>
    %get3A_96 = vector.extract %get3A_95[0, 0] : f32 from vector<1x1xf32>
    %div3A_97 = vector.broadcast %get3A_96 : f32 to vector<1024x1000xf32>
    %div3A_98 = arith.divf %dot_general3A_92, %div3A_97 : vector<1024x1000xf32>
    %get3A_99 = arith.constant 0 : index
    %get3A_100 = arith.constant 0 : index
    %get3A_101 = vector.load %arg16[%get3A_99, %get3A_100] : memref<1024x1000xf32, #tpu.memory_space<vmem>>, vector<1024x1000xf32>
    %get3A_102 = arith.constant 0 : index
    %get3A_103 = arith.constant 0 : index
    %get3A_104 = vector.load %arg17[%get3A_102, %get3A_103] : memref<1024x1000xi32, #tpu.memory_space<vmem>>, vector<1024x1000xi32>
    %get3A_105 = arith.constant 0 : index
    %get3A_106 = arith.constant 0 : index
    %get3A_107 = vector.load %arg18[%get3A_105, %get3A_106] : memref<1024x1000xf32, #tpu.memory_space<vmem>>, vector<1024x1000xf32>
    %gt3A = arith.cmpf ogt, %div3A_98, %get3A_101 : vector<1024x1000xf32>
    %select_n3A = arith.select %gt3A, %get3A_101, %div3A_98 : vector<1024x1000xi1>, vector<1024x1000xf32>
    %select_n3A_108 = arith.select %gt3A, %div3A_98, %get3A_101 : vector<1024x1000xi1>, vector<1024x1000xf32>
    %swap3A_109 = arith.constant 0 : index
    %swap3A_110 = arith.constant 0 : index
    %swap3A_111 = vector.load %arg16[%swap3A_109, %swap3A_110] : memref<1024x1000xf32, #tpu.memory_space<vmem>>, vector<1024x1000xf32>
    tpu.vector_store %arg16[%swap3A_109, %swap3A_110], %select_n3A_108 {strides = array<i32>} : memref<1024x1000xf32, #tpu.memory_space<vmem>>, vector<1024x1000xf32>,
    %broadcast_in_dim3A_112 = vector.broadcast %arg0 : i32 to vector<1024x1000xi32>
    %select_n3A_113 = arith.select %gt3A, %broadcast_in_dim3A_112, %get3A_104 : vector<1024x1000xi1>, vector<1024x1000xi32>
    %swap3A_114 = arith.constant 0 : index
    %swap3A_115 = arith.constant 0 : index
    %swap3A_116 = vector.load %arg17[%swap3A_114, %swap3A_115] : memref<1024x1000xi32, #tpu.memory_space<vmem>>, vector<1024x1000xi32>
    tpu.vector_store %arg17[%swap3A_114, %swap3A_115], %select_n3A_113 {strides = array<i32>} : memref<1024x1000xi32, #tpu.memory_space<vmem>>, vector<1024x1000xi32>,
    %gt3A_117 = arith.cmpf ogt, %select_n3A, %get3A_107 : vector<1024x1000xf32>
    %select_n3A_118 = arith.select %gt3A_117, %select_n3A, %get3A_107 : vector<1024x1000xi1>, vector<1024x1000xf32>
    %swap3A_119 = arith.constant 0 : index
    %swap3A_120 = arith.constant 0 : index
    %swap3A_121 = vector.load %arg18[%swap3A_119, %swap3A_120] : memref<1024x1000xf32, #tpu.memory_space<vmem>>, vector<1024x1000xf32>
    tpu.vector_store %arg18[%swap3A_119, %swap3A_120], %select_n3A_118 {strides = array<i32>} : memref<1024x1000xf32, #tpu.memory_space<vmem>>, vector<1024x1000xf32>,
    %eq3A_122 = arith.constant 99 : i32
    %eq3A_123 = arith.cmpi eq, %arg0, %eq3A_122 : i32
    %convert_element_type3A_124 = arith.extui %eq3A_123 : i1 to i32
    %cond3A_125 = arith.constant 0 : i32
    %cond3A_126 = arith.cmpi ne, %convert_element_type3A_124, %cond3A_125 : i32
    scf.if %cond3A_126 {
      %iota3A = tpu.iota {dimensions = array<i32: 1>} : vector<1024x1000xi32>
      %get3A_127 = arith.constant 0 : index
      %get3A_128 = arith.constant 0 : index
      %get3A_129 = vector.load %arg16[%get3A_127, %get3A_128] : memref<1024x1000xf32, #tpu.memory_space<vmem>>, vector<1024x1000xf32>
      %get3A_130 = arith.constant 0 : index
      %get3A_131 = arith.constant 0 : index
      %get3A_132 = vector.load %arg18[%get3A_130, %get3A_131] : memref<1024x1000xf32, #tpu.memory_space<vmem>>, vector<1024x1000xf32>
      %reduce_max3A = arith.constant dense<0xFF800000> : vector<1024xf32>
      %reduce_max3A_133 = vector.multi_reduction <maximumf>, %get3A_129, %reduce_max3A [1] : vector<1024x1000xf32> to vector<1024xf32>
      %broadcast_in_dim3A_134 = vector.shape_cast %reduce_max3A_133 : vector<1024xf32> to vector<1024x1xf32>
      %reduce_max3A_135 = arith.constant dense<0xFF800000> : vector<1024xf32>
      %reduce_max3A_136 = vector.multi_reduction <maximumf>, %get3A_132, %reduce_max3A_135 [1] : vector<1024x1000xf32> to vector<1024xf32>
      %broadcast_in_dim3A_137 = vector.shape_cast %reduce_max3A_136 : vector<1024xf32> to vector<1024x1xf32>
      %ge3A = arith.cmpf oge, %broadcast_in_dim3A_134, %broadcast_in_dim3A_137 : vector<1024x1xf32>
      %select_n3A_138 = arith.select %ge3A, %broadcast_in_dim3A_134, %broadcast_in_dim3A_137 : vector<1024x1xi1>, vector<1024x1xf32>
      %eq3A_139 = vector.broadcast %broadcast_in_dim3A_134 : vector<1024x1xf32> to vector<1024x1000xf32>
      %eq3A_140 = arith.cmpf oeq, %get3A_129, %eq3A_139 : vector<1024x1000xf32>
      %jit3A = arith.constant 1000 : i32
      %broadcast_in_dim3A_141 = vector.broadcast %jit3A : i32 to vector<1024x1000xi32>
      %select_n3A_142 = arith.select %eq3A_140, %iota3A, %broadcast_in_dim3A_141 : vector<1024x1000xi1>, vector<1024x1000xi32>
      %reduce_min3A = arith.constant dense<2147483647> : vector<1024xi32>
      %reduce_min3A_143 = vector.multi_reduction <minsi>, %select_n3A_142, %reduce_min3A [1] : vector<1024x1000xi32> to vector<1024xi32>
      %broadcast_in_dim3A_144 = vector.shape_cast %reduce_min3A_143 : vector<1024xi32> to vector<1024x1xi32>
      %eq3A_145 = vector.broadcast %broadcast_in_dim3A_137 : vector<1024x1xf32> to vector<1024x1000xf32>
      %eq3A_146 = arith.cmpf oeq, %get3A_132, %eq3A_145 : vector<1024x1000xf32>
      %jit3A_147 = arith.constant 1000 : i32
      %broadcast_in_dim3A_148 = vector.broadcast %jit3A_147 : i32 to vector<1024x1000xi32>
      %select_n3A_149 = arith.select %eq3A_146, %iota3A, %broadcast_in_dim3A_148 : vector<1024x1000xi1>, vector<1024x1000xi32>
      %reduce_min3A_150 = arith.constant dense<2147483647> : vector<1024xi32>
      %reduce_min3A_151 = vector.multi_reduction <minsi>, %select_n3A_149, %reduce_min3A_150 [1] : vector<1024x1000xi32> to vector<1024xi32>
      %broadcast_in_dim3A_152 = vector.shape_cast %reduce_min3A_151 : vector<1024xi32> to vector<1024x1xi32>
      %eq3A_153 = vector.broadcast %broadcast_in_dim3A_144 : vector<1024x1xi32> to vector<1024x1000xi32>
      %eq3A_154 = arith.cmpi eq, %iota3A, %eq3A_153 : vector<1024x1000xi32>
      %get3A_155 = arith.constant 0 : index
      %get3A_156 = arith.constant 0 : index
      %get3A_157 = vector.load %arg17[%get3A_155, %get3A_156] : memref<1024x1000xi32, #tpu.memory_space<vmem>>, vector<1024x1000xi32>
      %jit3A_158 = arith.constant 0 : i32
      %broadcast_in_dim3A_159 = vector.broadcast %jit3A_158 : i32 to vector<1024x1000xi32>
      %select_n3A_160 = arith.select %eq3A_154, %get3A_157, %broadcast_in_dim3A_159 : vector<1024x1000xi1>, vector<1024x1000xi32>
      %reduce_sum3A_161 = arith.constant dense<0> : vector<1024xi32>
      %reduce_sum3A_162 = vector.multi_reduction <add>, %select_n3A_160, %reduce_sum3A_161 [1] : vector<1024x1000xi32> to vector<1024xi32>
      %broadcast_in_dim3A_163 = vector.shape_cast %reduce_sum3A_162 : vector<1024xi32> to vector<1024x1xi32>
      %mul3A_164 = arith.constant 1000 : i32
      %mul3A_165 = vector.broadcast %mul3A_164 : i32 to vector<1024x1xi32>
      %mul3A_166 = arith.muli %broadcast_in_dim3A_163, %mul3A_165 : vector<1024x1xi32>
      %add3A_167 = arith.addi %mul3A_166, %broadcast_in_dim3A_144 : vector<1024x1xi32>
      %select_n3A_168 = arith.select %ge3A, %add3A_167, %broadcast_in_dim3A_152 : vector<1024x1xi1>, vector<1024x1xi32>
      %not3A = arith.constant dense<true> : vector<1024x1xi1>
      %not3A_169 = arith.xori %ge3A, %not3A : vector<1024x1xi1>
      %eq3A_170 = vector.broadcast %broadcast_in_dim3A_144 : vector<1024x1xi32> to vector<1024x1000xi32>
      %eq3A_171 = arith.cmpi eq, %iota3A, %eq3A_170 : vector<1024x1000xi32>
      %and3A = vector.broadcast %ge3A : vector<1024x1xi1> to vector<1024x1000xi1>
      %and3A_172 = arith.andi %eq3A_171, %and3A : vector<1024x1000xi1>
      %jit3A_173 = arith.constant 0xFF800000 : f32
      %broadcast_in_dim3A_174 = vector.broadcast %jit3A_173 : f32 to vector<1024x1000xf32>
      %select_n3A_175 = arith.select %and3A_172, %broadcast_in_dim3A_174, %get3A_129 : vector<1024x1000xi1>, vector<1024x1000xf32>
      %swap3A_176 = arith.constant 0 : index
      %swap3A_177 = arith.constant 0 : index
      %swap3A_178 = vector.load %arg16[%swap3A_176, %swap3A_177] : memref<1024x1000xf32, #tpu.memory_space<vmem>>, vector<1024x1000xf32>
      tpu.vector_store %arg16[%swap3A_176, %swap3A_177], %select_n3A_175 {strides = array<i32>} : memref<1024x1000xf32, #tpu.memory_space<vmem>>, vector<1024x1000xf32>,
      %eq3A_179 = vector.broadcast %broadcast_in_dim3A_152 : vector<1024x1xi32> to vector<1024x1000xi32>
      %eq3A_180 = arith.cmpi eq, %iota3A, %eq3A_179 : vector<1024x1000xi32>
      %not3A_181 = arith.constant dense<true> : vector<1024x1xi1>
      %not3A_182 = arith.xori %ge3A, %not3A_181 : vector<1024x1xi1>
      %and3A_183 = vector.broadcast %not3A_182 : vector<1024x1xi1> to vector<1024x1000xi1>
      %and3A_184 = arith.andi %eq3A_180, %and3A_183 : vector<1024x1000xi1>
      %jit3A_185 = arith.constant 0xFF800000 : f32
      %broadcast_in_dim3A_186 = vector.broadcast %jit3A_185 : f32 to vector<1024x1000xf32>
      %select_n3A_187 = arith.select %and3A_184, %broadcast_in_dim3A_186, %get3A_132 : vector<1024x1000xi1>, vector<1024x1000xf32>
      %swap3A_188 = arith.constant 0 : index
      %swap3A_189 = arith.constant 0 : index
      %swap3A_190 = vector.load %arg18[%swap3A_188, %swap3A_189] : memref<1024x1000xf32, #tpu.memory_space<vmem>>, vector<1024x1000xf32>
      tpu.vector_store %arg18[%swap3A_188, %swap3A_189], %select_n3A_187 {strides = array<i32>} : memref<1024x1000xf32, #tpu.memory_space<vmem>>, vector<1024x1000xf32>,
      %get3A_191 = arith.constant 0 : index
      %get3A_192 = arith.constant 0 : index
      %get3A_193 = vector.load %arg16[%get3A_191, %get3A_192] : memref<1024x1000xf32, #tpu.memory_space<vmem>>, vector<1024x1000xf32>
      %get3A_194 = arith.constant 0 : index
      %get3A_195 = arith.constant 0 : index
      %get3A_196 = vector.load %arg18[%get3A_194, %get3A_195] : memref<1024x1000xf32, #tpu.memory_space<vmem>>, vector<1024x1000xf32>
      %reduce_max3A_197 = arith.constant dense<0xFF800000> : vector<1024xf32>
      %reduce_max3A_198 = vector.multi_reduction <maximumf>, %get3A_193, %reduce_max3A_197 [1] : vector<1024x1000xf32> to vector<1024xf32>
      %broadcast_in_dim3A_199 = vector.shape_cast %reduce_max3A_198 : vector<1024xf32> to vector<1024x1xf32>
      %reduce_max3A_200 = arith.constant dense<0xFF800000> : vector<1024xf32>
      %reduce_max3A_201 = vector.multi_reduction <maximumf>, %get3A_196, %reduce_max3A_200 [1] : vector<1024x1000xf32> to vector<1024xf32>
      %broadcast_in_dim3A_202 = vector.shape_cast %reduce_max3A_201 : vector<1024xf32> to vector<1024x1xf32>
      %ge3A_203 = arith.cmpf oge, %broadcast_in_dim3A_199, %broadcast_in_dim3A_202 : vector<1024x1xf32>
      %select_n3A_204 = arith.select %ge3A_203, %broadcast_in_dim3A_199, %broadcast_in_dim3A_202 : vector<1024x1xi1>, vector<1024x1xf32>
      %eq3A_205 = vector.broadcast %broadcast_in_dim3A_199 : vector<1024x1xf32> to vector<1024x1000xf32>
      %eq3A_206 = arith.cmpf oeq, %get3A_193, %eq3A_205 : vector<1024x1000xf32>
      %jit3A_207 = arith.constant 1000 : i32
      %broadcast_in_dim3A_208 = vector.broadcast %jit3A_207 : i32 to vector<1024x1000xi32>
      %select_n3A_209 = arith.select %eq3A_206, %iota3A, %broadcast_in_dim3A_208 : vector<1024x1000xi1>, vector<1024x1000xi32>
      %reduce_min3A_210 = arith.constant dense<2147483647> : vector<1024xi32>
      %reduce_min3A_211 = vector.multi_reduction <minsi>, %select_n3A_209, %reduce_min3A_210 [1] : vector<1024x1000xi32> to vector<1024xi32>
      %broadcast_in_dim3A_212 = vector.shape_cast %reduce_min3A_211 : vector<1024xi32> to vector<1024x1xi32>
      %eq3A_213 = vector.broadcast %broadcast_in_dim3A_202 : vector<1024x1xf32> to vector<1024x1000xf32>
      %eq3A_214 = arith.cmpf oeq, %get3A_196, %eq3A_213 : vector<1024x1000xf32>
      %jit3A_215 = arith.constant 1000 : i32
      %broadcast_in_dim3A_216 = vector.broadcast %jit3A_215 : i32 to vector<1024x1000xi32>
      %select_n3A_217 = arith.select %eq3A_214, %iota3A, %broadcast_in_dim3A_216 : vector<1024x1000xi1>, vector<1024x1000xi32>
      %reduce_min3A_218 = arith.constant dense<2147483647> : vector<1024xi32>
      %reduce_min3A_219 = vector.multi_reduction <minsi>, %select_n3A_217, %reduce_min3A_218 [1] : vector<1024x1000xi32> to vector<1024xi32>
      %broadcast_in_dim3A_220 = vector.shape_cast %reduce_min3A_219 : vector<1024xi32> to vector<1024x1xi32>
      %eq3A_221 = vector.broadcast %broadcast_in_dim3A_212 : vector<1024x1xi32> to vector<1024x1000xi32>
      %eq3A_222 = arith.cmpi eq, %iota3A, %eq3A_221 : vector<1024x1000xi32>
      %get3A_223 = arith.constant 0 : index
      %get3A_224 = arith.constant 0 : index
      %get3A_225 = vector.load %arg17[%get3A_223, %get3A_224] : memref<1024x1000xi32, #tpu.memory_space<vmem>>, vector<1024x1000xi32>
      %jit3A_226 = arith.constant 0 : i32
      %broadcast_in_dim3A_227 = vector.broadcast %jit3A_226 : i32 to vector<1024x1000xi32>
      %select_n3A_228 = arith.select %eq3A_222, %get3A_225, %broadcast_in_dim3A_227 : vector<1024x1000xi1>, vector<1024x1000xi32>
      %reduce_sum3A_229 = arith.constant dense<0> : vector<1024xi32>
      %reduce_sum3A_230 = vector.multi_reduction <add>, %select_n3A_228, %reduce_sum3A_229 [1] : vector<1024x1000xi32> to vector<1024xi32>
      %broadcast_in_dim3A_231 = vector.shape_cast %reduce_sum3A_230 : vector<1024xi32> to vector<1024x1xi32>
      %mul3A_232 = arith.constant 1000 : i32
      %mul3A_233 = vector.broadcast %mul3A_232 : i32 to vector<1024x1xi32>
      %mul3A_234 = arith.muli %broadcast_in_dim3A_231, %mul3A_233 : vector<1024x1xi32>
      %add3A_235 = arith.addi %mul3A_234, %broadcast_in_dim3A_212 : vector<1024x1xi32>
      %select_n3A_236 = arith.select %ge3A_203, %add3A_235, %broadcast_in_dim3A_220 : vector<1024x1xi1>, vector<1024x1xi32>
      %not3A_237 = arith.constant dense<true> : vector<1024x1xi1>
      %not3A_238 = arith.xori %ge3A_203, %not3A_237 : vector<1024x1xi1>
      %eq3A_239 = vector.broadcast %broadcast_in_dim3A_212 : vector<1024x1xi32> to vector<1024x1000xi32>
      %eq3A_240 = arith.cmpi eq, %iota3A, %eq3A_239 : vector<1024x1000xi32>
      %and3A_241 = vector.broadcast %ge3A_203 : vector<1024x1xi1> to vector<1024x1000xi1>
      %and3A_242 = arith.andi %eq3A_240, %and3A_241 : vector<1024x1000xi1>
      %jit3A_243 = arith.constant 0xFF800000 : f32
      %broadcast_in_dim3A_244 = vector.broadcast %jit3A_243 : f32 to vector<1024x1000xf32>
      %select_n3A_245 = arith.select %and3A_242, %broadcast_in_dim3A_244, %get3A_193 : vector<1024x1000xi1>, vector<1024x1000xf32>
      %swap3A_246 = arith.constant 0 : index
      %swap3A_247 = arith.constant 0 : index
      %swap3A_248 = vector.load %arg16[%swap3A_246, %swap3A_247] : memref<1024x1000xf32, #tpu.memory_space<vmem>>, vector<1024x1000xf32>
      tpu.vector_store %arg16[%swap3A_246, %swap3A_247], %select_n3A_245 {strides = array<i32>} : memref<1024x1000xf32, #tpu.memory_space<vmem>>, vector<1024x1000xf32>,
      %eq3A_249 = vector.broadcast %broadcast_in_dim3A_220 : vector<1024x1xi32> to vector<1024x1000xi32>
      %eq3A_250 = arith.cmpi eq, %iota3A, %eq3A_249 : vector<1024x1000xi32>
      %not3A_251 = arith.constant dense<true> : vector<1024x1xi1>
      %not3A_252 = arith.xori %ge3A_203, %not3A_251 : vector<1024x1xi1>
      %and3A_253 = vector.broadcast %not3A_252 : vector<1024x1xi1> to vector<1024x1000xi1>
      %and3A_254 = arith.andi %eq3A_250, %and3A_253 : vector<1024x1000xi1>
      %jit3A_255 = arith.constant 0xFF800000 : f32
      %broadcast_in_dim3A_256 = vector.broadcast %jit3A_255 : f32 to vector<1024x1000xf32>
      %select_n3A_257 = arith.select %and3A_254, %broadcast_in_dim3A_256, %get3A_196 : vector<1024x1000xi1>, vector<1024x1000xf32>
      %swap3A_258 = arith.constant 0 : index
      %swap3A_259 = arith.constant 0 : index
      %swap3A_260 = vector.load %arg18[%swap3A_258, %swap3A_259] : memref<1024x1000xf32, #tpu.memory_space<vmem>>, vector<1024x1000xf32>
      tpu.vector_store %arg18[%swap3A_258, %swap3A_259], %select_n3A_257 {strides = array<i32>} : memref<1024x1000xf32, #tpu.memory_space<vmem>>, vector<1024x1000xf32>,
      %get3A_261 = arith.constant 0 : index
      %get3A_262 = arith.constant 0 : index
      %get3A_263 = vector.load %arg16[%get3A_261, %get3A_262] : memref<1024x1000xf32, #tpu.memory_space<vmem>>, vector<1024x1000xf32>
      %get3A_264 = arith.constant 0 : index
      %get3A_265 = arith.constant 0 : index
      %get3A_266 = vector.load %arg18[%get3A_264, %get3A_265] : memref<1024x1000xf32, #tpu.memory_space<vmem>>, vector<1024x1000xf32>
      %reduce_max3A_267 = arith.constant dense<0xFF800000> : vector<1024xf32>
      %reduce_max3A_268 = vector.multi_reduction <maximumf>, %get3A_263, %reduce_max3A_267 [1] : vector<1024x1000xf32> to vector<1024xf32>
      %broadcast_in_dim3A_269 = vector.shape_cast %reduce_max3A_268 : vector<1024xf32> to vector<1024x1xf32>
      %reduce_max3A_270 = arith.constant dense<0xFF800000> : vector<1024xf32>
      %reduce_max3A_271 = vector.multi_reduction <maximumf>, %get3A_266, %reduce_max3A_270 [1] : vector<1024x1000xf32> to vector<1024xf32>
      %broadcast_in_dim3A_272 = vector.shape_cast %reduce_max3A_271 : vector<1024xf32> to vector<1024x1xf32>
      %ge3A_273 = arith.cmpf oge, %broadcast_in_dim3A_269, %broadcast_in_dim3A_272 : vector<1024x1xf32>
      %select_n3A_274 = arith.select %ge3A_273, %broadcast_in_dim3A_269, %broadcast_in_dim3A_272 : vector<1024x1xi1>, vector<1024x1xf32>
      %eq3A_275 = vector.broadcast %broadcast_in_dim3A_269 : vector<1024x1xf32> to vector<1024x1000xf32>
      %eq3A_276 = arith.cmpf oeq, %get3A_263, %eq3A_275 : vector<1024x1000xf32>
      %jit3A_277 = arith.constant 1000 : i32
      %broadcast_in_dim3A_278 = vector.broadcast %jit3A_277 : i32 to vector<1024x1000xi32>
      %select_n3A_279 = arith.select %eq3A_276, %iota3A, %broadcast_in_dim3A_278 : vector<1024x1000xi1>, vector<1024x1000xi32>
      %reduce_min3A_280 = arith.constant dense<2147483647> : vector<1024xi32>
      %reduce_min3A_281 = vector.multi_reduction <minsi>, %select_n3A_279, %reduce_min3A_280 [1] : vector<1024x1000xi32> to vector<1024xi32>
      %broadcast_in_dim3A_282 = vector.shape_cast %reduce_min3A_281 : vector<1024xi32> to vector<1024x1xi32>
      %eq3A_283 = vector.broadcast %broadcast_in_dim3A_272 : vector<1024x1xf32> to vector<1024x1000xf32>
      %eq3A_284 = arith.cmpf oeq, %get3A_266, %eq3A_283 : vector<1024x1000xf32>
      %jit3A_285 = arith.constant 1000 : i32
      %broadcast_in_dim3A_286 = vector.broadcast %jit3A_285 : i32 to vector<1024x1000xi32>
      %select_n3A_287 = arith.select %eq3A_284, %iota3A, %broadcast_in_dim3A_286 : vector<1024x1000xi1>, vector<1024x1000xi32>
      %reduce_min3A_288 = arith.constant dense<2147483647> : vector<1024xi32>
      %reduce_min3A_289 = vector.multi_reduction <minsi>, %select_n3A_287, %reduce_min3A_288 [1] : vector<1024x1000xi32> to vector<1024xi32>
      %broadcast_in_dim3A_290 = vector.shape_cast %reduce_min3A_289 : vector<1024xi32> to vector<1024x1xi32>
      %eq3A_291 = vector.broadcast %broadcast_in_dim3A_282 : vector<1024x1xi32> to vector<1024x1000xi32>
      %eq3A_292 = arith.cmpi eq, %iota3A, %eq3A_291 : vector<1024x1000xi32>
      %get3A_293 = arith.constant 0 : index
      %get3A_294 = arith.constant 0 : index
      %get3A_295 = vector.load %arg17[%get3A_293, %get3A_294] : memref<1024x1000xi32, #tpu.memory_space<vmem>>, vector<1024x1000xi32>
      %jit3A_296 = arith.constant 0 : i32
      %broadcast_in_dim3A_297 = vector.broadcast %jit3A_296 : i32 to vector<1024x1000xi32>
      %select_n3A_298 = arith.select %eq3A_292, %get3A_295, %broadcast_in_dim3A_297 : vector<1024x1000xi1>, vector<1024x1000xi32>
      %reduce_sum3A_299 = arith.constant dense<0> : vector<1024xi32>
      %reduce_sum3A_300 = vector.multi_reduction <add>, %select_n3A_298, %reduce_sum3A_299 [1] : vector<1024x1000xi32> to vector<1024xi32>
      %broadcast_in_dim3A_301 = vector.shape_cast %reduce_sum3A_300 : vector<1024xi32> to vector<1024x1xi32>
      %mul3A_302 = arith.constant 1000 : i32
      %mul3A_303 = vector.broadcast %mul3A_302 : i32 to vector<1024x1xi32>
      %mul3A_304 = arith.muli %broadcast_in_dim3A_301, %mul3A_303 : vector<1024x1xi32>
      %add3A_305 = arith.addi %mul3A_304, %broadcast_in_dim3A_282 : vector<1024x1xi32>
      %select_n3A_306 = arith.select %ge3A_273, %add3A_305, %broadcast_in_dim3A_290 : vector<1024x1xi1>, vector<1024x1xi32>
      %not3A_307 = arith.constant dense<true> : vector<1024x1xi1>
      %not3A_308 = arith.xori %ge3A_273, %not3A_307 : vector<1024x1xi1>
      %eq3A_309 = vector.broadcast %broadcast_in_dim3A_282 : vector<1024x1xi32> to vector<1024x1000xi32>
      %eq3A_310 = arith.cmpi eq, %iota3A, %eq3A_309 : vector<1024x1000xi32>
      %and3A_311 = vector.broadcast %ge3A_273 : vector<1024x1xi1> to vector<1024x1000xi1>
      %and3A_312 = arith.andi %eq3A_310, %and3A_311 : vector<1024x1000xi1>
      %jit3A_313 = arith.constant 0xFF800000 : f32
      %broadcast_in_dim3A_314 = vector.broadcast %jit3A_313 : f32 to vector<1024x1000xf32>
      %select_n3A_315 = arith.select %and3A_312, %broadcast_in_dim3A_314, %get3A_263 : vector<1024x1000xi1>, vector<1024x1000xf32>
      %swap3A_316 = arith.constant 0 : index
      %swap3A_317 = arith.constant 0 : index
      %swap3A_318 = vector.load %arg16[%swap3A_316, %swap3A_317] : memref<1024x1000xf32, #tpu.memory_space<vmem>>, vector<1024x1000xf32>
      tpu.vector_store %arg16[%swap3A_316, %swap3A_317], %select_n3A_315 {strides = array<i32>} : memref<1024x1000xf32, #tpu.memory_space<vmem>>, vector<1024x1000xf32>,
      %eq3A_319 = vector.broadcast %broadcast_in_dim3A_290 : vector<1024x1xi32> to vector<1024x1000xi32>
      %eq3A_320 = arith.cmpi eq, %iota3A, %eq3A_319 : vector<1024x1000xi32>
      %not3A_321 = arith.constant dense<true> : vector<1024x1xi1>
      %not3A_322 = arith.xori %ge3A_273, %not3A_321 : vector<1024x1xi1>
      %and3A_323 = vector.broadcast %not3A_322 : vector<1024x1xi1> to vector<1024x1000xi1>
      %and3A_324 = arith.andi %eq3A_320, %and3A_323 : vector<1024x1000xi1>
      %jit3A_325 = arith.constant 0xFF800000 : f32
      %broadcast_in_dim3A_326 = vector.broadcast %jit3A_325 : f32 to vector<1024x1000xf32>
      %select_n3A_327 = arith.select %and3A_324, %broadcast_in_dim3A_326, %get3A_266 : vector<1024x1000xi1>, vector<1024x1000xf32>
      %swap3A_328 = arith.constant 0 : index
      %swap3A_329 = arith.constant 0 : index
      %swap3A_330 = vector.load %arg18[%swap3A_328, %swap3A_329] : memref<1024x1000xf32, #tpu.memory_space<vmem>>, vector<1024x1000xf32>
      tpu.vector_store %arg18[%swap3A_328, %swap3A_329], %select_n3A_327 {strides = array<i32>} : memref<1024x1000xf32, #tpu.memory_space<vmem>>, vector<1024x1000xf32>,
      %get3A_331 = arith.constant 0 : index
      %get3A_332 = arith.constant 0 : index
      %get3A_333 = vector.load %arg16[%get3A_331, %get3A_332] : memref<1024x1000xf32, #tpu.memory_space<vmem>>, vector<1024x1000xf32>
      %get3A_334 = arith.constant 0 : index
      %get3A_335 = arith.constant 0 : index
      %get3A_336 = vector.load %arg18[%get3A_334, %get3A_335] : memref<1024x1000xf32, #tpu.memory_space<vmem>>, vector<1024x1000xf32>
      %reduce_max3A_337 = arith.constant dense<0xFF800000> : vector<1024xf32>
      %reduce_max3A_338 = vector.multi_reduction <maximumf>, %get3A_333, %reduce_max3A_337 [1] : vector<1024x1000xf32> to vector<1024xf32>
      %broadcast_in_dim3A_339 = vector.shape_cast %reduce_max3A_338 : vector<1024xf32> to vector<1024x1xf32>
      %reduce_max3A_340 = arith.constant dense<0xFF800000> : vector<1024xf32>
      %reduce_max3A_341 = vector.multi_reduction <maximumf>, %get3A_336, %reduce_max3A_340 [1] : vector<1024x1000xf32> to vector<1024xf32>
      %broadcast_in_dim3A_342 = vector.shape_cast %reduce_max3A_341 : vector<1024xf32> to vector<1024x1xf32>
      %ge3A_343 = arith.cmpf oge, %broadcast_in_dim3A_339, %broadcast_in_dim3A_342 : vector<1024x1xf32>
      %select_n3A_344 = arith.select %ge3A_343, %broadcast_in_dim3A_339, %broadcast_in_dim3A_342 : vector<1024x1xi1>, vector<1024x1xf32>
      %eq3A_345 = vector.broadcast %broadcast_in_dim3A_339 : vector<1024x1xf32> to vector<1024x1000xf32>
      %eq3A_346 = arith.cmpf oeq, %get3A_333, %eq3A_345 : vector<1024x1000xf32>
      %jit3A_347 = arith.constant 1000 : i32
      %broadcast_in_dim3A_348 = vector.broadcast %jit3A_347 : i32 to vector<1024x1000xi32>
      %select_n3A_349 = arith.select %eq3A_346, %iota3A, %broadcast_in_dim3A_348 : vector<1024x1000xi1>, vector<1024x1000xi32>
      %reduce_min3A_350 = arith.constant dense<2147483647> : vector<1024xi32>
      %reduce_min3A_351 = vector.multi_reduction <minsi>, %select_n3A_349, %reduce_min3A_350 [1] : vector<1024x1000xi32> to vector<1024xi32>
      %broadcast_in_dim3A_352 = vector.shape_cast %reduce_min3A_351 : vector<1024xi32> to vector<1024x1xi32>
      %eq3A_353 = vector.broadcast %broadcast_in_dim3A_342 : vector<1024x1xf32> to vector<1024x1000xf32>
      %eq3A_354 = arith.cmpf oeq, %get3A_336, %eq3A_353 : vector<1024x1000xf32>
      %jit3A_355 = arith.constant 1000 : i32
      %broadcast_in_dim3A_356 = vector.broadcast %jit3A_355 : i32 to vector<1024x1000xi32>
      %select_n3A_357 = arith.select %eq3A_354, %iota3A, %broadcast_in_dim3A_356 : vector<1024x1000xi1>, vector<1024x1000xi32>
      %reduce_min3A_358 = arith.constant dense<2147483647> : vector<1024xi32>
      %reduce_min3A_359 = vector.multi_reduction <minsi>, %select_n3A_357, %reduce_min3A_358 [1] : vector<1024x1000xi32> to vector<1024xi32>
      %broadcast_in_dim3A_360 = vector.shape_cast %reduce_min3A_359 : vector<1024xi32> to vector<1024x1xi32>
      %eq3A_361 = vector.broadcast %broadcast_in_dim3A_352 : vector<1024x1xi32> to vector<1024x1000xi32>
      %eq3A_362 = arith.cmpi eq, %iota3A, %eq3A_361 : vector<1024x1000xi32>
      %get3A_363 = arith.constant 0 : index
      %get3A_364 = arith.constant 0 : index
      %get3A_365 = vector.load %arg17[%get3A_363, %get3A_364] : memref<1024x1000xi32, #tpu.memory_space<vmem>>, vector<1024x1000xi32>
      %jit3A_366 = arith.constant 0 : i32
      %broadcast_in_dim3A_367 = vector.broadcast %jit3A_366 : i32 to vector<1024x1000xi32>
      %select_n3A_368 = arith.select %eq3A_362, %get3A_365, %broadcast_in_dim3A_367 : vector<1024x1000xi1>, vector<1024x1000xi32>
      %reduce_sum3A_369 = arith.constant dense<0> : vector<1024xi32>
      %reduce_sum3A_370 = vector.multi_reduction <add>, %select_n3A_368, %reduce_sum3A_369 [1] : vector<1024x1000xi32> to vector<1024xi32>
      %broadcast_in_dim3A_371 = vector.shape_cast %reduce_sum3A_370 : vector<1024xi32> to vector<1024x1xi32>
      %mul3A_372 = arith.constant 1000 : i32
      %mul3A_373 = vector.broadcast %mul3A_372 : i32 to vector<1024x1xi32>
      %mul3A_374 = arith.muli %broadcast_in_dim3A_371, %mul3A_373 : vector<1024x1xi32>
      %add3A_375 = arith.addi %mul3A_374, %broadcast_in_dim3A_352 : vector<1024x1xi32>
      %select_n3A_376 = arith.select %ge3A_343, %add3A_375, %broadcast_in_dim3A_360 : vector<1024x1xi1>, vector<1024x1xi32>
      %not3A_377 = arith.constant dense<true> : vector<1024x1xi1>
      %not3A_378 = arith.xori %ge3A_343, %not3A_377 : vector<1024x1xi1>
      %eq3A_379 = vector.broadcast %broadcast_in_dim3A_352 : vector<1024x1xi32> to vector<1024x1000xi32>
      %eq3A_380 = arith.cmpi eq, %iota3A, %eq3A_379 : vector<1024x1000xi32>
      %and3A_381 = vector.broadcast %ge3A_343 : vector<1024x1xi1> to vector<1024x1000xi1>
      %and3A_382 = arith.andi %eq3A_380, %and3A_381 : vector<1024x1000xi1>
      %jit3A_383 = arith.constant 0xFF800000 : f32
      %broadcast_in_dim3A_384 = vector.broadcast %jit3A_383 : f32 to vector<1024x1000xf32>
      %select_n3A_385 = arith.select %and3A_382, %broadcast_in_dim3A_384, %get3A_333 : vector<1024x1000xi1>, vector<1024x1000xf32>
      %swap3A_386 = arith.constant 0 : index
      %swap3A_387 = arith.constant 0 : index
      %swap3A_388 = vector.load %arg16[%swap3A_386, %swap3A_387] : memref<1024x1000xf32, #tpu.memory_space<vmem>>, vector<1024x1000xf32>
      tpu.vector_store %arg16[%swap3A_386, %swap3A_387], %select_n3A_385 {strides = array<i32>} : memref<1024x1000xf32, #tpu.memory_space<vmem>>, vector<1024x1000xf32>,
      %eq3A_389 = vector.broadcast %broadcast_in_dim3A_360 : vector<1024x1xi32> to vector<1024x1000xi32>
      %eq3A_390 = arith.cmpi eq, %iota3A, %eq3A_389 : vector<1024x1000xi32>
      %not3A_391 = arith.constant dense<true> : vector<1024x1xi1>
      %not3A_392 = arith.xori %ge3A_343, %not3A_391 : vector<1024x1xi1>
      %and3A_393 = vector.broadcast %not3A_392 : vector<1024x1xi1> to vector<1024x1000xi1>
      %and3A_394 = arith.andi %eq3A_390, %and3A_393 : vector<1024x1000xi1>
      %jit3A_395 = arith.constant 0xFF800000 : f32
      %broadcast_in_dim3A_396 = vector.broadcast %jit3A_395 : f32 to vector<1024x1000xf32>
      %select_n3A_397 = arith.select %and3A_394, %broadcast_in_dim3A_396, %get3A_336 : vector<1024x1000xi1>, vector<1024x1000xf32>
      %swap3A_398 = arith.constant 0 : index
      %swap3A_399 = arith.constant 0 : index
      %swap3A_400 = vector.load %arg18[%swap3A_398, %swap3A_399] : memref<1024x1000xf32, #tpu.memory_space<vmem>>, vector<1024x1000xf32>
      tpu.vector_store %arg18[%swap3A_398, %swap3A_399], %select_n3A_397 {strides = array<i32>} : memref<1024x1000xf32, #tpu.memory_space<vmem>>, vector<1024x1000xf32>,
      %get3A_401 = arith.constant 0 : index
      %get3A_402 = arith.constant 0 : index
      %get3A_403 = vector.load %arg16[%get3A_401, %get3A_402] : memref<1024x1000xf32, #tpu.memory_space<vmem>>, vector<1024x1000xf32>
      %get3A_404 = arith.constant 0 : index
      %get3A_405 = arith.constant 0 : index
      %get3A_406 = vector.load %arg18[%get3A_404, %get3A_405] : memref<1024x1000xf32, #tpu.memory_space<vmem>>, vector<1024x1000xf32>
      %reduce_max3A_407 = arith.constant dense<0xFF800000> : vector<1024xf32>
      %reduce_max3A_408 = vector.multi_reduction <maximumf>, %get3A_403, %reduce_max3A_407 [1] : vector<1024x1000xf32> to vector<1024xf32>
      %broadcast_in_dim3A_409 = vector.shape_cast %reduce_max3A_408 : vector<1024xf32> to vector<1024x1xf32>
      %reduce_max3A_410 = arith.constant dense<0xFF800000> : vector<1024xf32>
      %reduce_max3A_411 = vector.multi_reduction <maximumf>, %get3A_406, %reduce_max3A_410 [1] : vector<1024x1000xf32> to vector<1024xf32>
      %broadcast_in_dim3A_412 = vector.shape_cast %reduce_max3A_411 : vector<1024xf32> to vector<1024x1xf32>
      %ge3A_413 = arith.cmpf oge, %broadcast_in_dim3A_409, %broadcast_in_dim3A_412 : vector<1024x1xf32>
      %select_n3A_414 = arith.select %ge3A_413, %broadcast_in_dim3A_409, %broadcast_in_dim3A_412 : vector<1024x1xi1>, vector<1024x1xf32>
      %eq3A_415 = vector.broadcast %broadcast_in_dim3A_409 : vector<1024x1xf32> to vector<1024x1000xf32>
      %eq3A_416 = arith.cmpf oeq, %get3A_403, %eq3A_415 : vector<1024x1000xf32>
      %jit3A_417 = arith.constant 1000 : i32
      %broadcast_in_dim3A_418 = vector.broadcast %jit3A_417 : i32 to vector<1024x1000xi32>
      %select_n3A_419 = arith.select %eq3A_416, %iota3A, %broadcast_in_dim3A_418 : vector<1024x1000xi1>, vector<1024x1000xi32>
      %reduce_min3A_420 = arith.constant dense<2147483647> : vector<1024xi32>
      %reduce_min3A_421 = vector.multi_reduction <minsi>, %select_n3A_419, %reduce_min3A_420 [1] : vector<1024x1000xi32> to vector<1024xi32>
      %broadcast_in_dim3A_422 = vector.shape_cast %reduce_min3A_421 : vector<1024xi32> to vector<1024x1xi32>
      %eq3A_423 = vector.broadcast %broadcast_in_dim3A_412 : vector<1024x1xf32> to vector<1024x1000xf32>
      %eq3A_424 = arith.cmpf oeq, %get3A_406, %eq3A_423 : vector<1024x1000xf32>
      %jit3A_425 = arith.constant 1000 : i32
      %broadcast_in_dim3A_426 = vector.broadcast %jit3A_425 : i32 to vector<1024x1000xi32>
      %select_n3A_427 = arith.select %eq3A_424, %iota3A, %broadcast_in_dim3A_426 : vector<1024x1000xi1>, vector<1024x1000xi32>
      %reduce_min3A_428 = arith.constant dense<2147483647> : vector<1024xi32>
      %reduce_min3A_429 = vector.multi_reduction <minsi>, %select_n3A_427, %reduce_min3A_428 [1] : vector<1024x1000xi32> to vector<1024xi32>
      %broadcast_in_dim3A_430 = vector.shape_cast %reduce_min3A_429 : vector<1024xi32> to vector<1024x1xi32>
      %eq3A_431 = vector.broadcast %broadcast_in_dim3A_422 : vector<1024x1xi32> to vector<1024x1000xi32>
      %eq3A_432 = arith.cmpi eq, %iota3A, %eq3A_431 : vector<1024x1000xi32>
      %get3A_433 = arith.constant 0 : index
      %get3A_434 = arith.constant 0 : index
      %get3A_435 = vector.load %arg17[%get3A_433, %get3A_434] : memref<1024x1000xi32, #tpu.memory_space<vmem>>, vector<1024x1000xi32>
      %jit3A_436 = arith.constant 0 : i32
      %broadcast_in_dim3A_437 = vector.broadcast %jit3A_436 : i32 to vector<1024x1000xi32>
      %select_n3A_438 = arith.select %eq3A_432, %get3A_435, %broadcast_in_dim3A_437 : vector<1024x1000xi1>, vector<1024x1000xi32>
      %reduce_sum3A_439 = arith.constant dense<0> : vector<1024xi32>
      %reduce_sum3A_440 = vector.multi_reduction <add>, %select_n3A_438, %reduce_sum3A_439 [1] : vector<1024x1000xi32> to vector<1024xi32>
      %broadcast_in_dim3A_441 = vector.shape_cast %reduce_sum3A_440 : vector<1024xi32> to vector<1024x1xi32>
      %mul3A_442 = arith.constant 1000 : i32
      %mul3A_443 = vector.broadcast %mul3A_442 : i32 to vector<1024x1xi32>
      %mul3A_444 = arith.muli %broadcast_in_dim3A_441, %mul3A_443 : vector<1024x1xi32>
      %add3A_445 = arith.addi %mul3A_444, %broadcast_in_dim3A_422 : vector<1024x1xi32>
      %select_n3A_446 = arith.select %ge3A_413, %add3A_445, %broadcast_in_dim3A_430 : vector<1024x1xi1>, vector<1024x1xi32>
      %not3A_447 = arith.constant dense<true> : vector<1024x1xi1>
      %not3A_448 = arith.xori %ge3A_413, %not3A_447 : vector<1024x1xi1>
      %eq3A_449 = vector.broadcast %broadcast_in_dim3A_422 : vector<1024x1xi32> to vector<1024x1000xi32>
      %eq3A_450 = arith.cmpi eq, %iota3A, %eq3A_449 : vector<1024x1000xi32>
      %and3A_451 = vector.broadcast %ge3A_413 : vector<1024x1xi1> to vector<1024x1000xi1>
      %and3A_452 = arith.andi %eq3A_450, %and3A_451 : vector<1024x1000xi1>
      %jit3A_453 = arith.constant 0xFF800000 : f32
      %broadcast_in_dim3A_454 = vector.broadcast %jit3A_453 : f32 to vector<1024x1000xf32>
      %select_n3A_455 = arith.select %and3A_452, %broadcast_in_dim3A_454, %get3A_403 : vector<1024x1000xi1>, vector<1024x1000xf32>
      %swap3A_456 = arith.constant 0 : index
      %swap3A_457 = arith.constant 0 : index
      %swap3A_458 = vector.load %arg16[%swap3A_456, %swap3A_457] : memref<1024x1000xf32, #tpu.memory_space<vmem>>, vector<1024x1000xf32>
      tpu.vector_store %arg16[%swap3A_456, %swap3A_457], %select_n3A_455 {strides = array<i32>} : memref<1024x1000xf32, #tpu.memory_space<vmem>>, vector<1024x1000xf32>,
      %eq3A_459 = vector.broadcast %broadcast_in_dim3A_430 : vector<1024x1xi32> to vector<1024x1000xi32>
      %eq3A_460 = arith.cmpi eq, %iota3A, %eq3A_459 : vector<1024x1000xi32>
      %not3A_461 = arith.constant dense<true> : vector<1024x1xi1>
      %not3A_462 = arith.xori %ge3A_413, %not3A_461 : vector<1024x1xi1>
      %and3A_463 = vector.broadcast %not3A_462 : vector<1024x1xi1> to vector<1024x1000xi1>
      %and3A_464 = arith.andi %eq3A_460, %and3A_463 : vector<1024x1000xi1>
      %jit3A_465 = arith.constant 0xFF800000 : f32
      %broadcast_in_dim3A_466 = vector.broadcast %jit3A_465 : f32 to vector<1024x1000xf32>
      %select_n3A_467 = arith.select %and3A_464, %broadcast_in_dim3A_466, %get3A_406 : vector<1024x1000xi1>, vector<1024x1000xf32>
      %swap3A_468 = arith.constant 0 : index
      %swap3A_469 = arith.constant 0 : index
      %swap3A_470 = vector.load %arg18[%swap3A_468, %swap3A_469] : memref<1024x1000xf32, #tpu.memory_space<vmem>>, vector<1024x1000xf32>
      tpu.vector_store %arg18[%swap3A_468, %swap3A_469], %select_n3A_467 {strides = array<i32>} : memref<1024x1000xf32, #tpu.memory_space<vmem>>, vector<1024x1000xf32>,
      %get3A_471 = arith.constant 0 : index
      %get3A_472 = arith.constant 0 : index
      %get3A_473 = vector.load %arg16[%get3A_471, %get3A_472] : memref<1024x1000xf32, #tpu.memory_space<vmem>>, vector<1024x1000xf32>
      %get3A_474 = arith.constant 0 : index
      %get3A_475 = arith.constant 0 : index
      %get3A_476 = vector.load %arg18[%get3A_474, %get3A_475] : memref<1024x1000xf32, #tpu.memory_space<vmem>>, vector<1024x1000xf32>
      %reduce_max3A_477 = arith.constant dense<0xFF800000> : vector<1024xf32>
      %reduce_max3A_478 = vector.multi_reduction <maximumf>, %get3A_473, %reduce_max3A_477 [1] : vector<1024x1000xf32> to vector<1024xf32>
      %broadcast_in_dim3A_479 = vector.shape_cast %reduce_max3A_478 : vector<1024xf32> to vector<1024x1xf32>
      %reduce_max3A_480 = arith.constant dense<0xFF800000> : vector<1024xf32>
      %reduce_max3A_481 = vector.multi_reduction <maximumf>, %get3A_476, %reduce_max3A_480 [1] : vector<1024x1000xf32> to vector<1024xf32>
      %broadcast_in_dim3A_482 = vector.shape_cast %reduce_max3A_481 : vector<1024xf32> to vector<1024x1xf32>
      %ge3A_483 = arith.cmpf oge, %broadcast_in_dim3A_479, %broadcast_in_dim3A_482 : vector<1024x1xf32>
      %select_n3A_484 = arith.select %ge3A_483, %broadcast_in_dim3A_479, %broadcast_in_dim3A_482 : vector<1024x1xi1>, vector<1024x1xf32>
      %eq3A_485 = vector.broadcast %broadcast_in_dim3A_479 : vector<1024x1xf32> to vector<1024x1000xf32>
      %eq3A_486 = arith.cmpf oeq, %get3A_473, %eq3A_485 : vector<1024x1000xf32>
      %jit3A_487 = arith.constant 1000 : i32
      %broadcast_in_dim3A_488 = vector.broadcast %jit3A_487 : i32 to vector<1024x1000xi32>
      %select_n3A_489 = arith.select %eq3A_486, %iota3A, %broadcast_in_dim3A_488 : vector<1024x1000xi1>, vector<1024x1000xi32>
      %reduce_min3A_490 = arith.constant dense<2147483647> : vector<1024xi32>
      %reduce_min3A_491 = vector.multi_reduction <minsi>, %select_n3A_489, %reduce_min3A_490 [1] : vector<1024x1000xi32> to vector<1024xi32>
      %broadcast_in_dim3A_492 = vector.shape_cast %reduce_min3A_491 : vector<1024xi32> to vector<1024x1xi32>
      %eq3A_493 = vector.broadcast %broadcast_in_dim3A_482 : vector<1024x1xf32> to vector<1024x1000xf32>
      %eq3A_494 = arith.cmpf oeq, %get3A_476, %eq3A_493 : vector<1024x1000xf32>
      %jit3A_495 = arith.constant 1000 : i32
      %broadcast_in_dim3A_496 = vector.broadcast %jit3A_495 : i32 to vector<1024x1000xi32>
      %select_n3A_497 = arith.select %eq3A_494, %iota3A, %broadcast_in_dim3A_496 : vector<1024x1000xi1>, vector<1024x1000xi32>
      %reduce_min3A_498 = arith.constant dense<2147483647> : vector<1024xi32>
      %reduce_min3A_499 = vector.multi_reduction <minsi>, %select_n3A_497, %reduce_min3A_498 [1] : vector<1024x1000xi32> to vector<1024xi32>
      %broadcast_in_dim3A_500 = vector.shape_cast %reduce_min3A_499 : vector<1024xi32> to vector<1024x1xi32>
      %eq3A_501 = vector.broadcast %broadcast_in_dim3A_492 : vector<1024x1xi32> to vector<1024x1000xi32>
      %eq3A_502 = arith.cmpi eq, %iota3A, %eq3A_501 : vector<1024x1000xi32>
      %get3A_503 = arith.constant 0 : index
      %get3A_504 = arith.constant 0 : index
      %get3A_505 = vector.load %arg17[%get3A_503, %get3A_504] : memref<1024x1000xi32, #tpu.memory_space<vmem>>, vector<1024x1000xi32>
      %jit3A_506 = arith.constant 0 : i32
      %broadcast_in_dim3A_507 = vector.broadcast %jit3A_506 : i32 to vector<1024x1000xi32>
      %select_n3A_508 = arith.select %eq3A_502, %get3A_505, %broadcast_in_dim3A_507 : vector<1024x1000xi1>, vector<1024x1000xi32>
      %reduce_sum3A_509 = arith.constant dense<0> : vector<1024xi32>
      %reduce_sum3A_510 = vector.multi_reduction <add>, %select_n3A_508, %reduce_sum3A_509 [1] : vector<1024x1000xi32> to vector<1024xi32>
      %broadcast_in_dim3A_511 = vector.shape_cast %reduce_sum3A_510 : vector<1024xi32> to vector<1024x1xi32>
      %mul3A_512 = arith.constant 1000 : i32
      %mul3A_513 = vector.broadcast %mul3A_512 : i32 to vector<1024x1xi32>
      %mul3A_514 = arith.muli %broadcast_in_dim3A_511, %mul3A_513 : vector<1024x1xi32>
      %add3A_515 = arith.addi %mul3A_514, %broadcast_in_dim3A_492 : vector<1024x1xi32>
      %select_n3A_516 = arith.select %ge3A_483, %add3A_515, %broadcast_in_dim3A_500 : vector<1024x1xi1>, vector<1024x1xi32>
      %not3A_517 = arith.constant dense<true> : vector<1024x1xi1>
      %not3A_518 = arith.xori %ge3A_483, %not3A_517 : vector<1024x1xi1>
      %eq3A_519 = vector.broadcast %broadcast_in_dim3A_492 : vector<1024x1xi32> to vector<1024x1000xi32>
      %eq3A_520 = arith.cmpi eq, %iota3A, %eq3A_519 : vector<1024x1000xi32>
      %and3A_521 = vector.broadcast %ge3A_483 : vector<1024x1xi1> to vector<1024x1000xi1>
      %and3A_522 = arith.andi %eq3A_520, %and3A_521 : vector<1024x1000xi1>
      %jit3A_523 = arith.constant 0xFF800000 : f32
      %broadcast_in_dim3A_524 = vector.broadcast %jit3A_523 : f32 to vector<1024x1000xf32>
      %select_n3A_525 = arith.select %and3A_522, %broadcast_in_dim3A_524, %get3A_473 : vector<1024x1000xi1>, vector<1024x1000xf32>
      %swap3A_526 = arith.constant 0 : index
      %swap3A_527 = arith.constant 0 : index
      %swap3A_528 = vector.load %arg16[%swap3A_526, %swap3A_527] : memref<1024x1000xf32, #tpu.memory_space<vmem>>, vector<1024x1000xf32>
      tpu.vector_store %arg16[%swap3A_526, %swap3A_527], %select_n3A_525 {strides = array<i32>} : memref<1024x1000xf32, #tpu.memory_space<vmem>>, vector<1024x1000xf32>,
      %eq3A_529 = vector.broadcast %broadcast_in_dim3A_500 : vector<1024x1xi32> to vector<1024x1000xi32>
      %eq3A_530 = arith.cmpi eq, %iota3A, %eq3A_529 : vector<1024x1000xi32>
      %not3A_531 = arith.constant dense<true> : vector<1024x1xi1>
      %not3A_532 = arith.xori %ge3A_483, %not3A_531 : vector<1024x1xi1>
      %and3A_533 = vector.broadcast %not3A_532 : vector<1024x1xi1> to vector<1024x1000xi1>
      %and3A_534 = arith.andi %eq3A_530, %and3A_533 : vector<1024x1000xi1>
      %jit3A_535 = arith.constant 0xFF800000 : f32
      %broadcast_in_dim3A_536 = vector.broadcast %jit3A_535 : f32 to vector<1024x1000xf32>
      %select_n3A_537 = arith.select %and3A_534, %broadcast_in_dim3A_536, %get3A_476 : vector<1024x1000xi1>, vector<1024x1000xf32>
      %swap3A_538 = arith.constant 0 : index
      %swap3A_539 = arith.constant 0 : index
      %swap3A_540 = vector.load %arg18[%swap3A_538, %swap3A_539] : memref<1024x1000xf32, #tpu.memory_space<vmem>>, vector<1024x1000xf32>
      tpu.vector_store %arg18[%swap3A_538, %swap3A_539], %select_n3A_537 {strides = array<i32>} : memref<1024x1000xf32, #tpu.memory_space<vmem>>, vector<1024x1000xf32>,
      %get3A_541 = arith.constant 0 : index
      %get3A_542 = arith.constant 0 : index
      %get3A_543 = vector.load %arg16[%get3A_541, %get3A_542] : memref<1024x1000xf32, #tpu.memory_space<vmem>>, vector<1024x1000xf32>
      %get3A_544 = arith.constant 0 : index
      %get3A_545 = arith.constant 0 : index
      %get3A_546 = vector.load %arg18[%get3A_544, %get3A_545] : memref<1024x1000xf32, #tpu.memory_space<vmem>>, vector<1024x1000xf32>
      %reduce_max3A_547 = arith.constant dense<0xFF800000> : vector<1024xf32>
      %reduce_max3A_548 = vector.multi_reduction <maximumf>, %get3A_543, %reduce_max3A_547 [1] : vector<1024x1000xf32> to vector<1024xf32>
      %broadcast_in_dim3A_549 = vector.shape_cast %reduce_max3A_548 : vector<1024xf32> to vector<1024x1xf32>
      %reduce_max3A_550 = arith.constant dense<0xFF800000> : vector<1024xf32>
      %reduce_max3A_551 = vector.multi_reduction <maximumf>, %get3A_546, %reduce_max3A_550 [1] : vector<1024x1000xf32> to vector<1024xf32>
      %broadcast_in_dim3A_552 = vector.shape_cast %reduce_max3A_551 : vector<1024xf32> to vector<1024x1xf32>
      %ge3A_553 = arith.cmpf oge, %broadcast_in_dim3A_549, %broadcast_in_dim3A_552 : vector<1024x1xf32>
      %select_n3A_554 = arith.select %ge3A_553, %broadcast_in_dim3A_549, %broadcast_in_dim3A_552 : vector<1024x1xi1>, vector<1024x1xf32>
      %eq3A_555 = vector.broadcast %broadcast_in_dim3A_549 : vector<1024x1xf32> to vector<1024x1000xf32>
      %eq3A_556 = arith.cmpf oeq, %get3A_543, %eq3A_555 : vector<1024x1000xf32>
      %jit3A_557 = arith.constant 1000 : i32
      %broadcast_in_dim3A_558 = vector.broadcast %jit3A_557 : i32 to vector<1024x1000xi32>
      %select_n3A_559 = arith.select %eq3A_556, %iota3A, %broadcast_in_dim3A_558 : vector<1024x1000xi1>, vector<1024x1000xi32>
      %reduce_min3A_560 = arith.constant dense<2147483647> : vector<1024xi32>
      %reduce_min3A_561 = vector.multi_reduction <minsi>, %select_n3A_559, %reduce_min3A_560 [1] : vector<1024x1000xi32> to vector<1024xi32>
      %broadcast_in_dim3A_562 = vector.shape_cast %reduce_min3A_561 : vector<1024xi32> to vector<1024x1xi32>
      %eq3A_563 = vector.broadcast %broadcast_in_dim3A_552 : vector<1024x1xf32> to vector<1024x1000xf32>
      %eq3A_564 = arith.cmpf oeq, %get3A_546, %eq3A_563 : vector<1024x1000xf32>
      %jit3A_565 = arith.constant 1000 : i32
      %broadcast_in_dim3A_566 = vector.broadcast %jit3A_565 : i32 to vector<1024x1000xi32>
      %select_n3A_567 = arith.select %eq3A_564, %iota3A, %broadcast_in_dim3A_566 : vector<1024x1000xi1>, vector<1024x1000xi32>
      %reduce_min3A_568 = arith.constant dense<2147483647> : vector<1024xi32>
      %reduce_min3A_569 = vector.multi_reduction <minsi>, %select_n3A_567, %reduce_min3A_568 [1] : vector<1024x1000xi32> to vector<1024xi32>
      %broadcast_in_dim3A_570 = vector.shape_cast %reduce_min3A_569 : vector<1024xi32> to vector<1024x1xi32>
      %eq3A_571 = vector.broadcast %broadcast_in_dim3A_562 : vector<1024x1xi32> to vector<1024x1000xi32>
      %eq3A_572 = arith.cmpi eq, %iota3A, %eq3A_571 : vector<1024x1000xi32>
      %get3A_573 = arith.constant 0 : index
      %get3A_574 = arith.constant 0 : index
      %get3A_575 = vector.load %arg17[%get3A_573, %get3A_574] : memref<1024x1000xi32, #tpu.memory_space<vmem>>, vector<1024x1000xi32>
      %jit3A_576 = arith.constant 0 : i32
      %broadcast_in_dim3A_577 = vector.broadcast %jit3A_576 : i32 to vector<1024x1000xi32>
      %select_n3A_578 = arith.select %eq3A_572, %get3A_575, %broadcast_in_dim3A_577 : vector<1024x1000xi1>, vector<1024x1000xi32>
      %reduce_sum3A_579 = arith.constant dense<0> : vector<1024xi32>
      %reduce_sum3A_580 = vector.multi_reduction <add>, %select_n3A_578, %reduce_sum3A_579 [1] : vector<1024x1000xi32> to vector<1024xi32>
      %broadcast_in_dim3A_581 = vector.shape_cast %reduce_sum3A_580 : vector<1024xi32> to vector<1024x1xi32>
      %mul3A_582 = arith.constant 1000 : i32
      %mul3A_583 = vector.broadcast %mul3A_582 : i32 to vector<1024x1xi32>
      %mul3A_584 = arith.muli %broadcast_in_dim3A_581, %mul3A_583 : vector<1024x1xi32>
      %add3A_585 = arith.addi %mul3A_584, %broadcast_in_dim3A_562 : vector<1024x1xi32>
      %select_n3A_586 = arith.select %ge3A_553, %add3A_585, %broadcast_in_dim3A_570 : vector<1024x1xi1>, vector<1024x1xi32>
      %not3A_587 = arith.constant dense<true> : vector<1024x1xi1>
      %not3A_588 = arith.xori %ge3A_553, %not3A_587 : vector<1024x1xi1>
      %eq3A_589 = vector.broadcast %broadcast_in_dim3A_562 : vector<1024x1xi32> to vector<1024x1000xi32>
      %eq3A_590 = arith.cmpi eq, %iota3A, %eq3A_589 : vector<1024x1000xi32>
      %and3A_591 = vector.broadcast %ge3A_553 : vector<1024x1xi1> to vector<1024x1000xi1>
      %and3A_592 = arith.andi %eq3A_590, %and3A_591 : vector<1024x1000xi1>
      %jit3A_593 = arith.constant 0xFF800000 : f32
      %broadcast_in_dim3A_594 = vector.broadcast %jit3A_593 : f32 to vector<1024x1000xf32>
      %select_n3A_595 = arith.select %and3A_592, %broadcast_in_dim3A_594, %get3A_543 : vector<1024x1000xi1>, vector<1024x1000xf32>
      %swap3A_596 = arith.constant 0 : index
      %swap3A_597 = arith.constant 0 : index
      %swap3A_598 = vector.load %arg16[%swap3A_596, %swap3A_597] : memref<1024x1000xf32, #tpu.memory_space<vmem>>, vector<1024x1000xf32>
      tpu.vector_store %arg16[%swap3A_596, %swap3A_597], %select_n3A_595 {strides = array<i32>} : memref<1024x1000xf32, #tpu.memory_space<vmem>>, vector<1024x1000xf32>,
      %eq3A_599 = vector.broadcast %broadcast_in_dim3A_570 : vector<1024x1xi32> to vector<1024x1000xi32>
      %eq3A_600 = arith.cmpi eq, %iota3A, %eq3A_599 : vector<1024x1000xi32>
      %not3A_601 = arith.constant dense<true> : vector<1024x1xi1>
      %not3A_602 = arith.xori %ge3A_553, %not3A_601 : vector<1024x1xi1>
      %and3A_603 = vector.broadcast %not3A_602 : vector<1024x1xi1> to vector<1024x1000xi1>
      %and3A_604 = arith.andi %eq3A_600, %and3A_603 : vector<1024x1000xi1>
      %jit3A_605 = arith.constant 0xFF800000 : f32
      %broadcast_in_dim3A_606 = vector.broadcast %jit3A_605 : f32 to vector<1024x1000xf32>
      %select_n3A_607 = arith.select %and3A_604, %broadcast_in_dim3A_606, %get3A_546 : vector<1024x1000xi1>, vector<1024x1000xf32>
      %swap3A_608 = arith.constant 0 : index
      %swap3A_609 = arith.constant 0 : index
      %swap3A_610 = vector.load %arg18[%swap3A_608, %swap3A_609] : memref<1024x1000xf32, #tpu.memory_space<vmem>>, vector<1024x1000xf32>
      tpu.vector_store %arg18[%swap3A_608, %swap3A_609], %select_n3A_607 {strides = array<i32>} : memref<1024x1000xf32, #tpu.memory_space<vmem>>, vector<1024x1000xf32>,
      %get3A_611 = arith.constant 0 : index
      %get3A_612 = arith.constant 0 : index
      %get3A_613 = vector.load %arg16[%get3A_611, %get3A_612] : memref<1024x1000xf32, #tpu.memory_space<vmem>>, vector<1024x1000xf32>
      %get3A_614 = arith.constant 0 : index
      %get3A_615 = arith.constant 0 : index
      %get3A_616 = vector.load %arg18[%get3A_614, %get3A_615] : memref<1024x1000xf32, #tpu.memory_space<vmem>>, vector<1024x1000xf32>
      %reduce_max3A_617 = arith.constant dense<0xFF800000> : vector<1024xf32>
      %reduce_max3A_618 = vector.multi_reduction <maximumf>, %get3A_613, %reduce_max3A_617 [1] : vector<1024x1000xf32> to vector<1024xf32>
      %broadcast_in_dim3A_619 = vector.shape_cast %reduce_max3A_618 : vector<1024xf32> to vector<1024x1xf32>
      %reduce_max3A_620 = arith.constant dense<0xFF800000> : vector<1024xf32>
      %reduce_max3A_621 = vector.multi_reduction <maximumf>, %get3A_616, %reduce_max3A_620 [1] : vector<1024x1000xf32> to vector<1024xf32>
      %broadcast_in_dim3A_622 = vector.shape_cast %reduce_max3A_621 : vector<1024xf32> to vector<1024x1xf32>
      %ge3A_623 = arith.cmpf oge, %broadcast_in_dim3A_619, %broadcast_in_dim3A_622 : vector<1024x1xf32>
      %select_n3A_624 = arith.select %ge3A_623, %broadcast_in_dim3A_619, %broadcast_in_dim3A_622 : vector<1024x1xi1>, vector<1024x1xf32>
      %eq3A_625 = vector.broadcast %broadcast_in_dim3A_619 : vector<1024x1xf32> to vector<1024x1000xf32>
      %eq3A_626 = arith.cmpf oeq, %get3A_613, %eq3A_625 : vector<1024x1000xf32>
      %jit3A_627 = arith.constant 1000 : i32
      %broadcast_in_dim3A_628 = vector.broadcast %jit3A_627 : i32 to vector<1024x1000xi32>
      %select_n3A_629 = arith.select %eq3A_626, %iota3A, %broadcast_in_dim3A_628 : vector<1024x1000xi1>, vector<1024x1000xi32>
      %reduce_min3A_630 = arith.constant dense<2147483647> : vector<1024xi32>
      %reduce_min3A_631 = vector.multi_reduction <minsi>, %select_n3A_629, %reduce_min3A_630 [1] : vector<1024x1000xi32> to vector<1024xi32>
      %broadcast_in_dim3A_632 = vector.shape_cast %reduce_min3A_631 : vector<1024xi32> to vector<1024x1xi32>
      %eq3A_633 = vector.broadcast %broadcast_in_dim3A_622 : vector<1024x1xf32> to vector<1024x1000xf32>
      %eq3A_634 = arith.cmpf oeq, %get3A_616, %eq3A_633 : vector<1024x1000xf32>
      %jit3A_635 = arith.constant 1000 : i32
      %broadcast_in_dim3A_636 = vector.broadcast %jit3A_635 : i32 to vector<1024x1000xi32>
      %select_n3A_637 = arith.select %eq3A_634, %iota3A, %broadcast_in_dim3A_636 : vector<1024x1000xi1>, vector<1024x1000xi32>
      %reduce_min3A_638 = arith.constant dense<2147483647> : vector<1024xi32>
      %reduce_min3A_639 = vector.multi_reduction <minsi>, %select_n3A_637, %reduce_min3A_638 [1] : vector<1024x1000xi32> to vector<1024xi32>
      %broadcast_in_dim3A_640 = vector.shape_cast %reduce_min3A_639 : vector<1024xi32> to vector<1024x1xi32>
      %eq3A_641 = vector.broadcast %broadcast_in_dim3A_632 : vector<1024x1xi32> to vector<1024x1000xi32>
      %eq3A_642 = arith.cmpi eq, %iota3A, %eq3A_641 : vector<1024x1000xi32>
      %get3A_643 = arith.constant 0 : index
      %get3A_644 = arith.constant 0 : index
      %get3A_645 = vector.load %arg17[%get3A_643, %get3A_644] : memref<1024x1000xi32, #tpu.memory_space<vmem>>, vector<1024x1000xi32>
      %jit3A_646 = arith.constant 0 : i32
      %broadcast_in_dim3A_647 = vector.broadcast %jit3A_646 : i32 to vector<1024x1000xi32>
      %select_n3A_648 = arith.select %eq3A_642, %get3A_645, %broadcast_in_dim3A_647 : vector<1024x1000xi1>, vector<1024x1000xi32>
      %reduce_sum3A_649 = arith.constant dense<0> : vector<1024xi32>
      %reduce_sum3A_650 = vector.multi_reduction <add>, %select_n3A_648, %reduce_sum3A_649 [1] : vector<1024x1000xi32> to vector<1024xi32>
      %broadcast_in_dim3A_651 = vector.shape_cast %reduce_sum3A_650 : vector<1024xi32> to vector<1024x1xi32>
      %mul3A_652 = arith.constant 1000 : i32
      %mul3A_653 = vector.broadcast %mul3A_652 : i32 to vector<1024x1xi32>
      %mul3A_654 = arith.muli %broadcast_in_dim3A_651, %mul3A_653 : vector<1024x1xi32>
      %add3A_655 = arith.addi %mul3A_654, %broadcast_in_dim3A_632 : vector<1024x1xi32>
      %select_n3A_656 = arith.select %ge3A_623, %add3A_655, %broadcast_in_dim3A_640 : vector<1024x1xi1>, vector<1024x1xi32>
      %not3A_657 = arith.constant dense<true> : vector<1024x1xi1>
      %not3A_658 = arith.xori %ge3A_623, %not3A_657 : vector<1024x1xi1>
      %eq3A_659 = vector.broadcast %broadcast_in_dim3A_632 : vector<1024x1xi32> to vector<1024x1000xi32>
      %eq3A_660 = arith.cmpi eq, %iota3A, %eq3A_659 : vector<1024x1000xi32>
      %and3A_661 = vector.broadcast %ge3A_623 : vector<1024x1xi1> to vector<1024x1000xi1>
      %and3A_662 = arith.andi %eq3A_660, %and3A_661 : vector<1024x1000xi1>
      %jit3A_663 = arith.constant 0xFF800000 : f32
      %broadcast_in_dim3A_664 = vector.broadcast %jit3A_663 : f32 to vector<1024x1000xf32>
      %select_n3A_665 = arith.select %and3A_662, %broadcast_in_dim3A_664, %get3A_613 : vector<1024x1000xi1>, vector<1024x1000xf32>
      %swap3A_666 = arith.constant 0 : index
      %swap3A_667 = arith.constant 0 : index
      %swap3A_668 = vector.load %arg16[%swap3A_666, %swap3A_667] : memref<1024x1000xf32, #tpu.memory_space<vmem>>, vector<1024x1000xf32>
      tpu.vector_store %arg16[%swap3A_666, %swap3A_667], %select_n3A_665 {strides = array<i32>} : memref<1024x1000xf32, #tpu.memory_space<vmem>>, vector<1024x1000xf32>,
      %eq3A_669 = vector.broadcast %broadcast_in_dim3A_640 : vector<1024x1xi32> to vector<1024x1000xi32>
      %eq3A_670 = arith.cmpi eq, %iota3A, %eq3A_669 : vector<1024x1000xi32>
      %not3A_671 = arith.constant dense<true> : vector<1024x1xi1>
      %not3A_672 = arith.xori %ge3A_623, %not3A_671 : vector<1024x1xi1>
      %and3A_673 = vector.broadcast %not3A_672 : vector<1024x1xi1> to vector<1024x1000xi1>
      %and3A_674 = arith.andi %eq3A_670, %and3A_673 : vector<1024x1000xi1>
      %jit3A_675 = arith.constant 0xFF800000 : f32
      %broadcast_in_dim3A_676 = vector.broadcast %jit3A_675 : f32 to vector<1024x1000xf32>
      %select_n3A_677 = arith.select %and3A_674, %broadcast_in_dim3A_676, %get3A_616 : vector<1024x1000xi1>, vector<1024x1000xf32>
      %swap3A_678 = arith.constant 0 : index
      %swap3A_679 = arith.constant 0 : index
      %swap3A_680 = vector.load %arg18[%swap3A_678, %swap3A_679] : memref<1024x1000xf32, #tpu.memory_space<vmem>>, vector<1024x1000xf32>
      tpu.vector_store %arg18[%swap3A_678, %swap3A_679], %select_n3A_677 {strides = array<i32>} : memref<1024x1000xf32, #tpu.memory_space<vmem>>, vector<1024x1000xf32>,
      %or3A = arith.ori %not3A_169, %not3A_238 : vector<1024x1xi1>
      %or3A_681 = arith.ori %or3A, %not3A_308 : vector<1024x1xi1>
      %or3A_682 = arith.ori %or3A_681, %not3A_378 : vector<1024x1xi1>
      %or3A_683 = arith.ori %or3A_682, %not3A_448 : vector<1024x1xi1>
      %or3A_684 = arith.ori %or3A_683, %not3A_518 : vector<1024x1xi1>
      %or3A_685 = arith.ori %or3A_684, %not3A_588 : vector<1024x1xi1>
      %or3A_686 = arith.ori %or3A_685, %not3A_658 : vector<1024x1xi1>
      %concatenate3A = tpu.concatenate %select_n3A_138, %select_n3A_204, %select_n3A_274, %select_n3A_344, %select_n3A_414, %select_n3A_484, %select_n3A_554, %select_n3A_624 in 1 : vector<1024x1xf32>, vector<1024x1xf32>, vector<1024x1xf32>, vector<1024x1xf32>, vector<1024x1xf32>, vector<1024x1xf32>, vector<1024x1xf32>, vector<1024x1xf32> -> vector<1024x8xf32>
      %swap3A_687 = arith.constant 0 : index
      %swap3A_688 = arith.constant 0 : index
      %swap3A_689 = vector.load %arg12[%swap3A_687, %swap3A_688] : memref<1024x8xf32, #tpu.memory_space<vmem>>, vector<1024x8xf32>
      tpu.vector_store %arg12[%swap3A_687, %swap3A_688], %concatenate3A {strides = array<i32>} : memref<1024x8xf32, #tpu.memory_space<vmem>>, vector<1024x8xf32>,
      %concatenate3A_690 = tpu.concatenate %select_n3A_168, %select_n3A_236, %select_n3A_306, %select_n3A_376, %select_n3A_446, %select_n3A_516, %select_n3A_586, %select_n3A_656 in 1 : vector<1024x1xi32>, vector<1024x1xi32>, vector<1024x1xi32>, vector<1024x1xi32>, vector<1024x1xi32>, vector<1024x1xi32>, vector<1024x1xi32>, vector<1024x1xi32> -> vector<1024x8xi32>
      %swap3A_691 = arith.constant 0 : index
      %swap3A_692 = arith.constant 0 : index
      %swap3A_693 = vector.load %arg13[%swap3A_691, %swap3A_692] : memref<1024x8xi32, #tpu.memory_space<vmem>>, vector<1024x8xi32>
      tpu.vector_store %arg13[%swap3A_691, %swap3A_692], %concatenate3A_690 {strides = array<i32>} : memref<1024x8xi32, #tpu.memory_space<vmem>>, vector<1024x8xi32>,
      %convert_element_type3A_694 = arith.extui %or3A_686 : vector<1024x1xi1> to vector<1024x1xi32>
      %swap3A_695 = arith.constant 0 : index
      %swap3A_696 = arith.constant 0 : index
      %swap3A_697 = vector.load %arg14[%swap3A_695, %swap3A_696] : memref<1024x1xi32, #tpu.memory_space<vmem>>, vector<1024x1xi32>
      tpu.vector_store %arg14[%swap3A_695, %swap3A_696], %convert_element_type3A_694 {strides = array<i32>} : memref<1024x1xi32, #tpu.memory_space<vmem>>, vector<1024x1xi32>,
    } else {
    }
    return
  }
  func.func @transform_0(%arg0: i32) -> (i32, i32, i32) {
    %c0_i32 = arith.constant 0 : i32
    %c0_i32_0 = arith.constant 0 : i32
    %c0_i32_1 = arith.constant 0 : i32
    return %arg0, %c0_i32, %c0_i32_0 : i32, i32, i32
  }
  func.func @transform_1(%arg0: i32) -> (i32, i32) {
    %c0_i32 = arith.constant 0 : i32
    %c0_i32_0 = arith.constant 0 : i32
    %c0_i32_1 = arith.constant 0 : i32
    return %c0_i32, %c0_i32_0 : i32, i32
  }
  func.func @transform_2(%arg0: i32) -> (i32, i32) {
    %c0_i32 = arith.constant 0 : i32
    %c0_i32_0 = arith.constant 0 : i32
    %c0_i32_1 = arith.constant 0 : i32
    return %c0_i32, %c0_i32_0 : i32, i32
  }
  func.func @transform_3(%arg0: i32) -> (i32, i32) {
    %c0_i32 = arith.constant 0 : i32
    %c0_i32_0 = arith.constant 0 : i32
    %c0_i32_1 = arith.constant 0 : i32
    return %c0_i32, %c0_i32_0 : i32, i32
  }
  func.func @transform_4(%arg0: i32) -> (i32, i32) {
    %c0_i32 = arith.constant 0 : i32
    %c0_i32_0 = arith.constant 0 : i32
    %c0_i32_1 = arith.constant 0 : i32
    return %c0_i32, %c0_i32_0 : i32, i32
  }
  func.func @transform_5(%arg0: i32) -> (i32, i32) {
    %c0_i32 = arith.constant 0 : i32
    %c0_i32_0 = arith.constant 0 : i32
    %c0_i32_1 = arith.constant 0 : i32
    return %c0_i32, %c0_i32_0 : i32, i32
  }
  func.func @transform_6(%arg0: i32) -> (i32, i32) {
    %c0_i32 = arith.constant 0 : i32
    %c0_i32_0 = arith.constant 0 : i32
    %c0_i32_1 = arith.constant 0 : i32
    return %c0_i32, %c0_i32_0 : i32, i32
  }
  func.func @transform_7(%arg0: i32) -> (i32, i32) {
    %c0_i32 = arith.constant 0 : i32
    %c0_i32_0 = arith.constant 0 : i32
    %c0_i32_1 = arith.constant 0 : i32
    return %c0_i32, %c0_i32_0 : i32, i32
  }
  func.func @transform_8(%arg0: i32) -> (i32, i32) {
    %c0_i32 = arith.constant 0 : i32
    %c0_i32_0 = arith.constant 0 : i32
    %c0_i32_1 = arith.constant 0 : i32
    return %c0_i32, %c0_i32_0 : i32, i32
  }
  func.func @transform_9(%arg0: i32) -> (i32, i32) {
    %c0_i32 = arith.constant 0 : i32
    %c0_i32_0 = arith.constant 0 : i32
    %c0_i32_1 = arith.constant 0 : i32
    return %c0_i32, %c0_i32_0 : i32, i32
  }
  func.func @transform_10(%arg0: i32) -> (i32, i32) {
    %c0_i32 = arith.constant 0 : i32
    %c0_i32_0 = arith.constant 0 : i32
    %c0_i32_1 = arith.constant 0 : i32
    return %c0_i32, %c0_i32_0 : i32, i32
  }
  func.func @transform_11(%arg0: i32) -> (i32, i32) {
    %c0_i32 = arith.constant 0 : i32
    %c0_i32_0 = arith.constant 0 : i32
    %c0_i32_1 = arith.constant 0 : i32
    return %c0_i32, %c0_i32_0 : i32, i32
  }
  func.func @transform_12(%arg0: i32) -> (i32, i32) {
    %c0_i32 = arith.constant 0 : i32
    %c0_i32_0 = arith.constant 0 : i32
    %c0_i32_1 = arith.constant 0 : i32
    return %c0_i32, %c0_i32_0 : i32, i32
  }
  func.func @transform_13(%arg0: i32) -> (i32, i32) {
    %c0_i32 = arith.constant 0 : i32
    %c0_i32_0 = arith.constant 0 : i32
    %c0_i32_1 = arith.constant 0 : i32
    return %c0_i32, %c0_i32_0 : i32, i32
  }
  func.func @transform_14(%arg0: i32) -> (i32, i32) {
    %c0_i32 = arith.constant 0 : i32
    %c0_i32_0 = arith.constant 0 : i32
    return %arg0, %c0_i32 : i32, i32
  }
}

module attributes {stable_mosaic.version = 14 : i64} {
  func.func @_q_body(%arg0: memref<1024x16x128xf32, #tpu.memory_space<vmem>>, %arg1: memref<128x128xf32, #tpu.memory_space<vmem>>, %arg2: memref<1x128xf32, #tpu.memory_space<vmem>>, %arg3: memref<128x128xf32, #tpu.memory_space<vmem>>, %arg4: memref<1x128xf32, #tpu.memory_space<vmem>>, %arg5: memref<1x128xf32, #tpu.memory_space<vmem>>, %arg6: memref<1x128xf32, #tpu.memory_space<vmem>>, %arg7: memref<128x128xf32, #tpu.memory_space<vmem>>, %arg8: memref<1x128xf32, #tpu.memory_space<vmem>>, %arg9: memref<1024x128xf32, #tpu.memory_space<vmem>>) attributes {dimension_semantics = [], scalar_prefetch = 0 : i64, scratch_operands = 0 : i64, tpu.core_type = #tpu.core_type<tc>} {
    %get3A = arith.constant 0 : index
    %get3A_0 = arith.constant 0 : index
    %get3A_1 = arith.constant 0 : index
    %get3A_2 = vector.load %arg0[%get3A, %get3A_0, %get3A_1] : memref<1024x16x128xf32, #tpu.memory_space<vmem>>, vector<1024x16x128xf32>
    %slice3A = vector.extract_strided_slice %get3A_2 {offsets = [0, 0, 0], sizes = [1024, 1, 128], strides = [1, 1, 1]} : vector<1024x16x128xf32> to vector<1024x1x128xf32>
    %squeeze3A = vector.shape_cast %slice3A : vector<1024x1x128xf32> to vector<1024x128xf32>
    %slice3A_3 = vector.extract_strided_slice %get3A_2 {offsets = [0, 1, 0], sizes = [1024, 1, 128], strides = [1, 1, 1]} : vector<1024x16x128xf32> to vector<1024x1x128xf32>
    %squeeze3A_4 = vector.shape_cast %slice3A_3 : vector<1024x1x128xf32> to vector<1024x128xf32>
    %add3A = arith.addf %squeeze3A, %squeeze3A_4 : vector<1024x128xf32>
    %slice3A_5 = vector.extract_strided_slice %get3A_2 {offsets = [0, 2, 0], sizes = [1024, 1, 128], strides = [1, 1, 1]} : vector<1024x16x128xf32> to vector<1024x1x128xf32>
    %squeeze3A_6 = vector.shape_cast %slice3A_5 : vector<1024x1x128xf32> to vector<1024x128xf32>
    %add3A_7 = arith.addf %add3A, %squeeze3A_6 : vector<1024x128xf32>
    %slice3A_8 = vector.extract_strided_slice %get3A_2 {offsets = [0, 3, 0], sizes = [1024, 1, 128], strides = [1, 1, 1]} : vector<1024x16x128xf32> to vector<1024x1x128xf32>
    %squeeze3A_9 = vector.shape_cast %slice3A_8 : vector<1024x1x128xf32> to vector<1024x128xf32>
    %add3A_10 = arith.addf %add3A_7, %squeeze3A_9 : vector<1024x128xf32>
    %slice3A_11 = vector.extract_strided_slice %get3A_2 {offsets = [0, 4, 0], sizes = [1024, 1, 128], strides = [1, 1, 1]} : vector<1024x16x128xf32> to vector<1024x1x128xf32>
    %squeeze3A_12 = vector.shape_cast %slice3A_11 : vector<1024x1x128xf32> to vector<1024x128xf32>
    %add3A_13 = arith.addf %add3A_10, %squeeze3A_12 : vector<1024x128xf32>
    %slice3A_14 = vector.extract_strided_slice %get3A_2 {offsets = [0, 5, 0], sizes = [1024, 1, 128], strides = [1, 1, 1]} : vector<1024x16x128xf32> to vector<1024x1x128xf32>
    %squeeze3A_15 = vector.shape_cast %slice3A_14 : vector<1024x1x128xf32> to vector<1024x128xf32>
    %add3A_16 = arith.addf %add3A_13, %squeeze3A_15 : vector<1024x128xf32>
    %slice3A_17 = vector.extract_strided_slice %get3A_2 {offsets = [0, 6, 0], sizes = [1024, 1, 128], strides = [1, 1, 1]} : vector<1024x16x128xf32> to vector<1024x1x128xf32>
    %squeeze3A_18 = vector.shape_cast %slice3A_17 : vector<1024x1x128xf32> to vector<1024x128xf32>
    %add3A_19 = arith.addf %add3A_16, %squeeze3A_18 : vector<1024x128xf32>
    %slice3A_20 = vector.extract_strided_slice %get3A_2 {offsets = [0, 7, 0], sizes = [1024, 1, 128], strides = [1, 1, 1]} : vector<1024x16x128xf32> to vector<1024x1x128xf32>
    %squeeze3A_21 = vector.shape_cast %slice3A_20 : vector<1024x1x128xf32> to vector<1024x128xf32>
    %add3A_22 = arith.addf %add3A_19, %squeeze3A_21 : vector<1024x128xf32>
    %slice3A_23 = vector.extract_strided_slice %get3A_2 {offsets = [0, 8, 0], sizes = [1024, 1, 128], strides = [1, 1, 1]} : vector<1024x16x128xf32> to vector<1024x1x128xf32>
    %squeeze3A_24 = vector.shape_cast %slice3A_23 : vector<1024x1x128xf32> to vector<1024x128xf32>
    %add3A_25 = arith.addf %add3A_22, %squeeze3A_24 : vector<1024x128xf32>
    %slice3A_26 = vector.extract_strided_slice %get3A_2 {offsets = [0, 9, 0], sizes = [1024, 1, 128], strides = [1, 1, 1]} : vector<1024x16x128xf32> to vector<1024x1x128xf32>
    %squeeze3A_27 = vector.shape_cast %slice3A_26 : vector<1024x1x128xf32> to vector<1024x128xf32>
    %add3A_28 = arith.addf %add3A_25, %squeeze3A_27 : vector<1024x128xf32>
    %slice3A_29 = vector.extract_strided_slice %get3A_2 {offsets = [0, 10, 0], sizes = [1024, 1, 128], strides = [1, 1, 1]} : vector<1024x16x128xf32> to vector<1024x1x128xf32>
    %squeeze3A_30 = vector.shape_cast %slice3A_29 : vector<1024x1x128xf32> to vector<1024x128xf32>
    %add3A_31 = arith.addf %add3A_28, %squeeze3A_30 : vector<1024x128xf32>
    %slice3A_32 = vector.extract_strided_slice %get3A_2 {offsets = [0, 11, 0], sizes = [1024, 1, 128], strides = [1, 1, 1]} : vector<1024x16x128xf32> to vector<1024x1x128xf32>
    %squeeze3A_33 = vector.shape_cast %slice3A_32 : vector<1024x1x128xf32> to vector<1024x128xf32>
    %add3A_34 = arith.addf %add3A_31, %squeeze3A_33 : vector<1024x128xf32>
    %slice3A_35 = vector.extract_strided_slice %get3A_2 {offsets = [0, 12, 0], sizes = [1024, 1, 128], strides = [1, 1, 1]} : vector<1024x16x128xf32> to vector<1024x1x128xf32>
    %squeeze3A_36 = vector.shape_cast %slice3A_35 : vector<1024x1x128xf32> to vector<1024x128xf32>
    %add3A_37 = arith.addf %add3A_34, %squeeze3A_36 : vector<1024x128xf32>
    %slice3A_38 = vector.extract_strided_slice %get3A_2 {offsets = [0, 13, 0], sizes = [1024, 1, 128], strides = [1, 1, 1]} : vector<1024x16x128xf32> to vector<1024x1x128xf32>
    %squeeze3A_39 = vector.shape_cast %slice3A_38 : vector<1024x1x128xf32> to vector<1024x128xf32>
    %add3A_40 = arith.addf %add3A_37, %squeeze3A_39 : vector<1024x128xf32>
    %slice3A_41 = vector.extract_strided_slice %get3A_2 {offsets = [0, 14, 0], sizes = [1024, 1, 128], strides = [1, 1, 1]} : vector<1024x16x128xf32> to vector<1024x1x128xf32>
    %squeeze3A_42 = vector.shape_cast %slice3A_41 : vector<1024x1x128xf32> to vector<1024x128xf32>
    %add3A_43 = arith.addf %add3A_40, %squeeze3A_42 : vector<1024x128xf32>
    %slice3A_44 = vector.extract_strided_slice %get3A_2 {offsets = [0, 15, 0], sizes = [1024, 1, 128], strides = [1, 1, 1]} : vector<1024x16x128xf32> to vector<1024x1x128xf32>
    %squeeze3A_45 = vector.shape_cast %slice3A_44 : vector<1024x1x128xf32> to vector<1024x128xf32>
    %add3A_46 = arith.addf %add3A_43, %squeeze3A_45 : vector<1024x128xf32>
    %mul3A = arith.constant 6.250000e-02 : f32
    %mul3A_47 = vector.broadcast %mul3A : f32 to vector<1024x128xf32>
    %mul3A_48 = arith.mulf %add3A_46, %mul3A_47 : vector<1024x128xf32>
    %get3A_49 = arith.constant 0 : index
    %get3A_50 = arith.constant 0 : index
    %get3A_51 = vector.load %arg1[%get3A_49, %get3A_50] : memref<128x128xf32, #tpu.memory_space<vmem>>, vector<128x128xf32>
    %get3A_52 = arith.constant 0 : index
    %get3A_53 = arith.constant 0 : index
    %get3A_54 = vector.load %arg2[%get3A_52, %get3A_53] : memref<1x128xf32, #tpu.memory_space<vmem>>, vector<1x128xf32>
    %get3A_55 = arith.constant 0 : index
    %get3A_56 = arith.constant 0 : index
    %get3A_57 = vector.load %arg3[%get3A_55, %get3A_56] : memref<128x128xf32, #tpu.memory_space<vmem>>, vector<128x128xf32>
    %get3A_58 = arith.constant 0 : index
    %get3A_59 = arith.constant 0 : index
    %get3A_60 = vector.load %arg4[%get3A_58, %get3A_59] : memref<1x128xf32, #tpu.memory_space<vmem>>, vector<1x128xf32>
    %get3A_61 = arith.constant 0 : index
    %get3A_62 = arith.constant 0 : index
    %get3A_63 = vector.load %arg5[%get3A_61, %get3A_62] : memref<1x128xf32, #tpu.memory_space<vmem>>, vector<1x128xf32>
    %get3A_64 = arith.constant 0 : index
    %get3A_65 = arith.constant 0 : index
    %get3A_66 = vector.load %arg6[%get3A_64, %get3A_65] : memref<1x128xf32, #tpu.memory_space<vmem>>, vector<1x128xf32>
    %get3A_67 = arith.constant 0 : index
    %get3A_68 = arith.constant 0 : index
    %get3A_69 = vector.load %arg7[%get3A_67, %get3A_68] : memref<128x128xf32, #tpu.memory_space<vmem>>, vector<128x128xf32>
    %get3A_70 = arith.constant 0 : index
    %get3A_71 = arith.constant 0 : index
    %get3A_72 = vector.load %arg8[%get3A_70, %get3A_71] : memref<1x128xf32, #tpu.memory_space<vmem>>, vector<1x128xf32>
    %dot_general3A = arith.constant dense<0.000000e+00> : vector<1024x128xf32>
    %dot_general3A_73 = tpu.matmul %mul3A_48, %get3A_51, %dot_general3A {dimension_numbers = #tpu.dot_dimension_numbers<[1], [0], [0], [1], [0, 0, 1, 1], [], []>, transpose_lhs_hint = false} : vector<1024x128xf32>, vector<128x128xf32>, vector<1024x128xf32> -> vector<1024x128xf32>
    %add3A_74 = vector.broadcast %get3A_54 : vector<1x128xf32> to vector<1024x128xf32>
    %add3A_75 = arith.addf %dot_general3A_73, %add3A_74 : vector<1024x128xf32>
    %max3A = arith.constant 0.000000e+00 : f32
    %max3A_76 = vector.broadcast %max3A : f32 to vector<1024x128xf32>
    %max3A_77 = arith.maximumf %add3A_75, %max3A_76 : vector<1024x128xf32>
    %dot_general3A_78 = arith.constant dense<0.000000e+00> : vector<1024x128xf32>
    %dot_general3A_79 = tpu.matmul %max3A_77, %get3A_57, %dot_general3A_78 {dimension_numbers = #tpu.dot_dimension_numbers<[1], [0], [0], [1], [0, 0, 1, 1], [], []>, transpose_lhs_hint = false} : vector<1024x128xf32>, vector<128x128xf32>, vector<1024x128xf32> -> vector<1024x128xf32>
    %add3A_80 = vector.broadcast %get3A_60 : vector<1x128xf32> to vector<1024x128xf32>
    %add3A_81 = arith.addf %dot_general3A_79, %add3A_80 : vector<1024x128xf32>
    %reduce_sum3A = arith.constant dense<0.000000e+00> : vector<1024xf32>
    %reduce_sum3A_82 = vector.multi_reduction <add>, %add3A_81, %reduce_sum3A [1] : vector<1024x128xf32> to vector<1024xf32>
    %broadcast_in_dim3A = vector.shape_cast %reduce_sum3A_82 : vector<1024xf32> to vector<1024x1xf32>
    %div3A = arith.constant 1.280000e+02 : f32
    %div3A_83 = vector.broadcast %div3A : f32 to vector<1024x1xf32>
    %div3A_84 = arith.divf %broadcast_in_dim3A, %div3A_83 : vector<1024x1xf32>
    %sub3A = vector.broadcast %div3A_84 : vector<1024x1xf32> to vector<1024x128xf32>
    %sub3A_85 = arith.subf %add3A_81, %sub3A : vector<1024x128xf32>
    %sub3A_86 = vector.broadcast %div3A_84 : vector<1024x1xf32> to vector<1024x128xf32>
    %sub3A_87 = arith.subf %add3A_81, %sub3A_86 : vector<1024x128xf32>
    %mul3A_88 = arith.mulf %sub3A_85, %sub3A_87 : vector<1024x128xf32>
    %reduce_sum3A_89 = arith.constant dense<0.000000e+00> : vector<1024xf32>
    %reduce_sum3A_90 = vector.multi_reduction <add>, %mul3A_88, %reduce_sum3A_89 [1] : vector<1024x128xf32> to vector<1024xf32>
    %broadcast_in_dim3A_91 = vector.shape_cast %reduce_sum3A_90 : vector<1024xf32> to vector<1024x1xf32>
    %div3A_92 = arith.constant 1.280000e+02 : f32
    %div3A_93 = vector.broadcast %div3A_92 : f32 to vector<1024x1xf32>
    %div3A_94 = arith.divf %broadcast_in_dim3A_91, %div3A_93 : vector<1024x1xf32>
    %sub3A_95 = vector.broadcast %div3A_84 : vector<1024x1xf32> to vector<1024x128xf32>
    %sub3A_96 = arith.subf %add3A_81, %sub3A_95 : vector<1024x128xf32>
    %add3A_97 = arith.constant 9.99999974E-6 : f32
    %add3A_98 = vector.broadcast %add3A_97 : f32 to vector<1024x1xf32>
    %add3A_99 = arith.addf %div3A_94, %add3A_98 : vector<1024x1xf32>
    %sqrt3A = math.sqrt %add3A_99 : vector<1024x1xf32>
    %div3A_100 = vector.broadcast %sqrt3A : vector<1024x1xf32> to vector<1024x128xf32>
    %div3A_101 = arith.divf %sub3A_96, %div3A_100 : vector<1024x128xf32>
    %mul3A_102 = vector.broadcast %get3A_63 : vector<1x128xf32> to vector<1024x128xf32>
    %mul3A_103 = arith.mulf %div3A_101, %mul3A_102 : vector<1024x128xf32>
    %add3A_104 = vector.broadcast %get3A_66 : vector<1x128xf32> to vector<1024x128xf32>
    %add3A_105 = arith.addf %mul3A_103, %add3A_104 : vector<1024x128xf32>
    %dot_general3A_106 = arith.constant dense<0.000000e+00> : vector<1024x128xf32>
    %dot_general3A_107 = tpu.matmul %add3A_105, %get3A_69, %dot_general3A_106 {dimension_numbers = #tpu.dot_dimension_numbers<[1], [0], [0], [1], [0, 0, 1, 1], [], []>, transpose_lhs_hint = false} : vector<1024x128xf32>, vector<128x128xf32>, vector<1024x128xf32> -> vector<1024x128xf32>
    %add3A_108 = vector.broadcast %get3A_72 : vector<1x128xf32> to vector<1024x128xf32>
    %add3A_109 = arith.addf %dot_general3A_107, %add3A_108 : vector<1024x128xf32>
    %mul3A_110 = arith.mulf %add3A_109, %add3A_109 : vector<1024x128xf32>
    %reduce_sum3A_111 = arith.constant dense<0.000000e+00> : vector<1024xf32>
    %reduce_sum3A_112 = vector.multi_reduction <add>, %mul3A_110, %reduce_sum3A_111 [1] : vector<1024x128xf32> to vector<1024xf32>
    %broadcast_in_dim3A_113 = vector.shape_cast %reduce_sum3A_112 : vector<1024xf32> to vector<1024x1xf32>
    %sqrt3A_114 = math.sqrt %broadcast_in_dim3A_113 : vector<1024x1xf32>
    %max3A_115 = arith.constant 9.99999996E-13 : f32
    %max3A_116 = vector.broadcast %max3A_115 : f32 to vector<1024x1xf32>
    %max3A_117 = arith.maximumf %sqrt3A_114, %max3A_116 : vector<1024x1xf32>
    %div3A_118 = vector.broadcast %max3A_117 : vector<1024x1xf32> to vector<1024x128xf32>
    %div3A_119 = arith.divf %add3A_109, %div3A_118 : vector<1024x128xf32>
    %swap3A = arith.constant 0 : index
    %swap3A_120 = arith.constant 0 : index
    %swap3A_121 = vector.load %arg9[%swap3A, %swap3A_120] : memref<1024x128xf32, #tpu.memory_space<vmem>>, vector<1024x128xf32>
    tpu.vector_store %arg9[%swap3A, %swap3A_120], %div3A_119 {strides = array<i32>} : memref<1024x128xf32, #tpu.memory_space<vmem>>, vector<1024x128xf32>,
    return
  }
}

</mosaic_0001>

<sc_bundles>
// kernel: kernel.6.cloned.1.call-start
scs
__scs_entry_jumppad:
0x0: {  	(pc) =	sbr.rel $0x88, $3  }
0x1: {  	(tag) =	ssettag $0x0;
	lr =	simm.s32 $0x1  }
0x2: {  	[smem:$0x3F90] =	sst lr;
	_ =	strace $0xD0000000  }
0x3: {  	_ = 	snop  }
0x4: {  	_ = 	snop  }
0x5: {  	_ = 	snop  }
0x6: {  	_ = 	snop  }
0x7: {  	_ = 	snop  }
__scs_overlays_trampoline_lowered:
0x8: {  	[smem:$0x3F9F] =	sst s0  }
0x9: {  	[smem:$0x3FA0] =	sst s1  }
0xa: {  	[smem:$0x3FA1] =	sst s2  }
0xb: {  	[smem:$0x3FA2] =	sst s3  }
0xc: {  	[smem:$0x3FA3] =	sst s4  }
0xd: {  	[smem:$0x3FA4] =	sst s5  }
0xe: {  	[smem:$0x3FA5] =	sst s6  }
0xf: {  	[smem:$0x3FA6] =	sst s7  }
0x10: {  	[smem:$0x3FA7] =	sst s8  }
0x11: {  	[smem:$0x3FA8] =	sst s9;
	s0 =	simm.s32 @!p0 $0x0  }
0x12: {  	s1 =	sld [smem:$0x3F8E];
	s0 =	simm.s32 @p0 $0x1  }
0x13: {  	[smem:$0x3FA9] =	sst s0;
	s0 =	simm.s32 @!p1 $0x0  }
0x14: {  	s2 =	sld [smem:$0x3F8D];
	s0 =	simm.s32 @p1 $0x1  }
0x15: {  	[smem:$0x3FAA] =	sst s0;
	s0 =	simm.s32 @!p2 $0x0  }
0x16: {  	s3 =	sld [smem:$0x3FDB];
	s0 =	simm.s32 @p2 $0x1  }
0x17: {  	s4 =	simm.s32 $0x1BF5;
	[smem:$0x3FAC] =	sst s0  }
0x18: {  	s0 =	sld [smem:$0x3F8F];
	_ =	swait.ge [sflag:s4], $0x0  }
0x19: {  	s7 =	sld [smem:$0x3F90]  }
0x1a: {  	s8 =	sadd.s32 $0xFFFFE003, lr  }
0x1b: {  	s9 =	sadd.s32 $0xFFFFFEF7, lr;
	s5 =	simm.s32 $0xFFFFFFFF;
	p2 =	slt.u32 s8, $0xFFFFF086  }
0x1c: {  	p1 =	slt.u32 s9, $0xF7A;
	s5 =	simm.s32 @!p2 $0x0  }
0x1d: {  	s5 =	simm.s32 @p1 $0x1;
	p0 =	seq.s32 s7, s2  }
0x1e: {  	s7 =	smul.u32 @!p0 $0xF7A, s2;
	p2 =	seq.s32 @!p0 s5, $0x0  }
0x1f: {  	s9 =	smul.u32 $0xF7A, s1;
	s8 =	simm.s32 @!p0 $0x1BF5;
	p2 =	por !p2, p0  }
0x20: {  	[sflag:s8] =	ssyncset.s32 @!p0 $0xFFFFF086;
	s6 =	sadd.s32 @!p0 s3, s7;
	s7 =	simm.s32 @!p0 $0x108  }
0x21: {  	s3 =	sadd.s32 s3, s9;
	s6 =	sadd.s32 @!p0 $0x88, s6;
	s7 =	simm.s32 @p2 $0x1082  }
0x22: {  	[simem:s7], [sflag:s8] =	dma.local @!p0 [hbm:s6], $0xF7A  }
0x23: {  	s9 =	sor.u32 $0xD0000000, s2;
	s6 =	simm.s32 $0x108;
	_ =	swait.ge @!p0 [sflag:s8], $0x0  }
0x24: {  	s3 =	sadd.s32 $0x88, s3;
	s6 =	simm.s32 @!p1 $0x1082;
	[sflag:s4] =	ssyncset.s32 $0xFFFFF086  }
0x25: {  	[simem:s6], [sflag:s4] =	dma.local [hbm:s3], $0xF7A  }
0x26: {  	[smem:$0x3F90] =	sst s1;
	(tag) =	ssettag s2;
	_ =	strace s9  }
0x27: {  	s1 =	sld [smem:$0x3FA0]  }
0x28: {  	s2 =	sld [smem:$0x3FA1]  }
0x29: {  	s4 =	sld [smem:$0x3FA3]  }
0x2a: {  	p0 =	seq.s32 s5, $0x0;
	s5 =	sld [smem:$0x3FA4]  }
0x2b: {  	s6 =	sld [smem:$0x3FA5]  }
0x2c: {  	s7 =	sld [smem:$0x3FA6]  }
0x2d: {  	s3 =	simm.s32 $0x108;
	s8 =	sld [smem:$0x3FA7]  }
0x2e: {  	s3 =	simm.s32 @!p0 $0x1082;
	s9 =	sld [smem:$0x3FA8]  }
0x2f: {  	lr =	sadd.s32 s0, s3;
	s0 =	sld [smem:$0x3F9F]  }
0x30: {  	s3 =	sld [smem:$0x3FA2]  }
0x31: {  	[smem:$0x3FAB] =	sst s10  }
0x32: {  	s10 =	sld [smem:$0x3FA9];
	_ =	sdelay $0x3  }
0x33: {  	p0 =	seq.s32 s10, $0x1;
	s10 =	sld [smem:$0x3FAB];
	_ =	sdelay $0x3  }
0x34: {  	[smem:$0x3FAB] =	sst s10  }
0x35: {  	s10 =	sld [smem:$0x3FAA];
	_ =	sdelay $0x3  }
0x36: {  	p1 =	seq.s32 s10, $0x1;
	s10 =	sld [smem:$0x3FAB];
	_ =	sdelay $0x3  }
0x37: {  	[smem:$0x3FAB] =	sst s10  }
0x38: {  	s10 =	sld [smem:$0x3FAC]  }
0x39: {  	_ = 	snop;
	(pc) =	sbr.ind lr, $3  }
0x3a: {  	_ = 	snop  }
0x3b: {  	_ = 	snop  }
0x3c: {  	p2 =	seq.s32 s10, $0x1;
	s10 =	sld [smem:$0x3FAB]  }
0x3d: {  	_ =	shalt  }
0x3e: {  	_ =	shalt  }
0x3f: {  	_ =	shalt  }
0x40: {  	_ =	shalt  }
0x41: {  	_ =	shalt  }
0x42: {  	_ =	shalt  }
0x43: {  	_ =	shalt  }
0x44: {  	_ =	shalt  }
0x45: {  	_ =	shalt  }
0x46: {  	_ =	shalt  }
0x47: {  	_ =	shalt  }
0x48: {  	_ =	shalt  }
0x49: {  	_ =	shalt  }
0x4a: {  	_ =	shalt  }
0x4b: {  	_ =	shalt  }
0x4c: {  	_ =	shalt  }
0x4d: {  	_ =	shalt  }
0x4e: {  	_ =	shalt  }
0x4f: {  	_ =	shalt  }
0x50: {  	_ =	shalt  }
0x51: {  	_ =	shalt  }
0x52: {  	_ =	shalt  }
0x53: {  	_ =	shalt  }
0x54: {  	_ =	shalt  }
0x55: {  	_ =	shalt  }
0x56: {  	_ =	shalt  }
0x57: {  	_ =	shalt  }
0x58: {  	_ =	shalt  }
0x59: {  	_ =	shalt  }
0x5a: {  	_ =	shalt  }
0x5b: {  	_ =	shalt  }
0x5c: {  	_ =	shalt  }
0x5d: {  	_ =	shalt  }
0x5e: {  	_ =	shalt  }
0x5f: {  	_ =	shalt  }
0x60: {  	_ =	shalt  }
0x61: {  	_ =	shalt  }
0x62: {  	_ =	shalt  }
0x63: {  	_ =	shalt  }
0x64: {  	_ =	shalt  }
0x65: {  	_ =	shalt  }
0x66: {  	_ =	shalt  }
0x67: {  	_ =	shalt  }
0x68: {  	_ =	shalt  }
0x69: {  	_ =	shalt  }
0x6a: {  	_ =	shalt  }
0x6b: {  	_ =	shalt  }
0x6c: {  	_ =	shalt  }
0x6d: {  	_ =	shalt  }
0x6e: {  	_ =	shalt  }
0x6f: {  	_ =	shalt  }
0x70: {  	_ =	shalt  }
0x71: {  	_ =	shalt  }
0x72: {  	_ =	shalt  }
0x73: {  	_ =	shalt  }
0x74: {  	_ =	shalt  }
0x75: {  	_ =	shalt  }
0x76: {  	_ =	shalt  }
0x77: {  	_ =	shalt  }
0x78: {  	_ =	shalt  }
0x79: {  	_ =	shalt  }
0x7a: {  	_ =	shalt  }
0x7b: {  	_ =	shalt  }
0x7c: {  	_ =	shalt  }
0x7d: {  	_ =	shalt  }
0x7e: {  	_ =	shalt  }
0x7f: {  	_ =	shalt  }
0x80: {  	_ =	shalt  }
0x81: {  	_ =	shalt  }
0x82: {  	_ =	shalt  }
0x83: {  	_ =	shalt  }
0x84: {  	_ =	shalt  }
0x85: {  	_ =	shalt  }
0x86: {  	_ =	shalt  }
0x87: {  	_ =	shalt  }
.Lfunc_end0:
.L_simem_size_0:
called_computation_lowered:
.L_overlay_start_0:
0x88: {  	s2 =	sld [smem:$0x3FD9]  }
0x89: {  	s3 =	sld [smem:$0x3FFE];
	_ =	sdelay $0x1  }
0x8a: {  	s1 =	srdreg.scid  }
0x8b: {  	s0 =	sand.u32 $0x1, s1  }
0x8c: {  	s14 =	sshll.u32 s0, $0xA;
	s2 =	sadd.s32 s3, s2  }
0x8d: {  	s2 =	sadd.s32 s2, s14  }
0x8e: {  	[smem:$0x3FB7] =	sst s2  }
0x8f: {  	_ = 	snop  }
0x90: {  	s2 =	sld [smem:$0x3FD0];
	_ =	sdelay $0x2  }
0x91: {  	s4 =	simm.s32 $0xA;
	s5 =	simm.s32 $0x10;
	s15 =	sld [smem:$0x3FC8]  }
0x92: {  	[smem:s5], [sflag:s4] =	dma.local [hbm:s2], $0x1  }
0x93: {  	_ =	swait.eq [sflag:s4], $0x1  }
0x94: {  	[sflag:s4] =	ssyncset.done $0x0  }
0x95: {  	[sflag:s4] =	ssyncadd.s32 $0xFFFFFFFF  }
0x96: {  	s16 =	sld [smem:$0x11];
	(tm) =	ssettm $0x1  }
0x97: {  	s17 =	sld [smem:$0x3FFB];
	_ =	sdelay $0x3  }
0x98: {  	_ =	strace s17  }
0x99: {  	s4 =	sld [smem:$0x3FFC];
	_ =	sdelay $0x3  }
0x9a: {  	_ =	strace s4  }
0x9b: {  	s4 =	sld [smem:$0x3FFD];
	_ =	sdelay $0x3  }
0x9c: {  	_ =	strace s4  }
0x9d: {  	_ =	strace $0x8FFFFFFF  }
0x9e: {  	s18 =	sld [smem:$0x3FDB];
	_ =	sdelay $0x1  }
0x9f: {  	s19 =	simm.s32 $_scs_section_size  }
0xa0: {  	s6 =	simm.s32 $_size__tile_overlayer_lowered;
	s7 =	simm.s32 $_tile_overlayer_lowered  }
0xa1: {  	s22 =	simm.s32 $0x1BFF;
	s21 =	sshll.u32 s7, $0x1;
	s4 =	sadd.s32 s19, s18  }
0xa2: {  	s8 =	simm.s32 $0x0;
	s20 =	sshll.u32 s6, $0x1;
	s6 =	sadd.s32 s21, s4  }
0xa3: {  	[timem:s8], [sflag:s22] =	dma.local [hbm:s6], s20  }
0xa4: {  	_ =	swait.ge [sflag:s22], s20  }
0xa5: {  	s5 =	ssub.s32 $0x0, s20;
	[sflag:s22] =	ssyncset.done $0x0  }
0xa6: {  	[sflag:s22] =	ssyncadd.s32 s5;
	_ =	sdelay $0x1  }
0xa7: {  	s23 =	simm.s32 $0x1B8B  }
0xa8: {  	_ =	swait.ge [sflag:s23], $0x1  }
0xa9: {  	[sflag:s23] =	ssyncset.done $0x0  }
0xaa: {  	s25 =	simm.s32 $0x1B8E;
	s24 =	sld [smem:$0x3FFE];
	[sflag:s23] =	ssyncadd.s32 $0xFFFFFFFF  }
0xab: {  	s26 =	simm.s32 $execute0_lowered;
	[smem:$0x3FD2] =	sst s25  }
0xac: {  	s6 =	sshll.u32 s26, $0x1;
	_ =	strace $0x80000046;
	[dreg:$0x1] =	wrdreg $0xFFFFFFFF  }
0xad: {  	s28 =	simm.s32 $_size_execute0_lowered;
	s4 =	sadd.s32 s4, s6;
	[dreg:$0x0] =	wrdreg $0x0  }
0xae: {  	s6 =	sshll.u32 s28, $0x1;
	[dreg:$0x2] =	wrdreg s4  }
0xaf: {  	[dreg:$0x3] =	wrdreg s6  }
0xb0: {  	[dreg:$0x4] =	wrdreg $0xC0  }
0xb1: {  	_ =	task [dreg:s8], $0x5FFFF  }
0xb2: {  	[dreg:$0x1] =	wrdreg $0xFFFFFFFF  }
0xb3: {  	[dreg:$0x0] =	wrdreg $0x60  }
0xb4: {  	[dreg:$0x2] =	wrdreg s15  }
0xb5: {  	[dreg:$0x3] =	wrdreg s24  }
0xb6: {  	[dreg:$0x4] =	wrdreg s16  }
0xb7: {  	[dreg:$0x5] =	wrdreg $0x9  }
0xb8: {  	_ =	task.clear_ibuf [dreg:s8], $0x6FFFF;
	_ =	strace $0x90000046  }
0xb9: {  	s29 =	simm.s32 $0x9;
	_ =	strace $0x80000048  }
0xba: {  	_ =	swait.ge [sflag:s29], $0x1  }
0xbb: {  	[sflag:s29] =	ssyncadd.s32 $0xFFFFFFFF  }
0xbc: {  	_ =	strace $0x90000048  }
0xbd: {  	_ =	sfence  }
0xbe: {  	s30 =	sld [smem:$0x0];
	_ =	sdelay $0x2  }
0xbf: {  	s31 =	sshll.u32 s1, $0xD;
	s1 =	sshrl.u32 s1, $0x2  }
0xc0: {  	s3 =	sand.u32 $0x4000, s31;
	s1 =	sadd.s32 s1, s30  }
0xc1: {  	s0 =	sor.u32 s3, s0;
	s1 =	sshll.u32 s1, $0x11  }
0xc2: {  	s0 =	sor.u32 s1, s0  }
0xc3: {  	s0 =	sadd.s32 $0x8F2B, s0  }
0xc4: {  	[sflag:s0] =	ssyncadd.remote.s32 $0x1  }
0xc5: {  	_ =	sfence.sel $0xFFFF  }
0xc6: {  	[dreg:$0x0] =	wrdreg $0xFFFFFFFF;
	(pc) =	sbr.abs _section_cstart, $3  }
0xc7: {  	[dreg:$0x1] =	wrdreg $0xFFFFFFFF  }
0xc8: {  	_ =	task.clear_ibuf [dreg:s8], $0x2FFFF;
	_ =	strace $0x9FFFFFFF  }
0xc9: {  	(tm) =	ssettm $0x7FFFFFFF  }
tec
execute0_lowered:
.L_overlay_start_1:
0x0: {  	(tag) =	ssettag $0x1  }
0x1: {  	s2 =	srdreg.scid  }
0x2: {  	s1 =	rddreg [dreg:$0x0];
	s0 =	stileid.u32;
	s13 =	sand.u32 $0x1, s2  }
0x3: {  	s4 =	rddreg [dreg:$0x1];
	s31 =	sshll.u32 s0, $0x9;
	s3 =	sshll.u32 s13, $0x8  }
0x4: {  	s9 =	rddreg [dreg:$0x2];
	s10 =	sor.u32 s3, s31  }
0x5: {  	s2 =	rddreg [dreg:$0x3];
	s3 =	simm.s32 $0x0;
	s5 =	sshrl.u32 s10, $0x3  }
0x6: {  	[smem:$0x7FF] =	sst s3;
	s4 =	sadd.s32 s5, s4  }
0x7: {  	_ =	strace $0x80000047;
	s5 =	sadd.s32 $0x6600, s4;
	s4 =	simm.s32 $0x2  }
0x8: {  	[tilespmem:s3], [sflag:$0x2] =	stream.linear.gather [hbm4b:s5+s3], $0x100, $0x38;
	[tilespmem:$0x8100] =	vst v63  }
0x9: {  	_ =	swait.ge [sflag:s4], $0x100  }
0xa: {  	s6 =	simm.s32 $0x40;
	[sflag:s4] =	ssyncset.done $0x0  }
0xb: {  	s7 =	simm.s32 $0x100;
	s8 =	simm.s32 $0x1;
	[sflag:s4] =	ssyncadd.s32 $0xFFFFFF00  }
0xc: {  	[tilespmem:s7], [sflag:$0x1] =	stream.indirect.gather [hbm4b:s1+s6], $0x200, s3, s6, $0xb8;
	[tilespmem:$0x8100] =	vst v63  }
0xd: {  	_ =	swait.ge [sflag:s8], $0x8000  }
0xe: {  	s10 =	sshll.u32 s10, $0x6;
	[sflag:s8] =	ssyncset.done $0x0  }
0xf: {  	s9 =	sadd.s32 s9, s10;
	[sflag:s8] =	ssyncadd.s32 $0xFFFF8000  }
0x10: {  	[hbm4b:s9+s3] =	stream.linear.scatter [tilespmem:s7], [sflag:$0x2], $0x8000, $0x38;
	[tilespmem:$0x8100] =	vst v63  }
0x11: {  	_ =	swait.ge [sflag:s4], $0x8000  }
0x12: {  	[sflag:s4] =	ssyncset.done $0x0  }
0x13: {  	[sflag:s4] =	ssyncadd.s32 $0xFFFF8000  }
0x14: {  	[tilespmem:s7], [sflag:$0x1] =	stream.indirect.gather [hbm4b:s1+s6], $0x200, s6, s6, $0xb8;
	[tilespmem:$0x8100] =	vst v63  }
0x15: {  	_ =	swait.ge [sflag:s8], $0x8000  }
0x16: {  	[sflag:s8] =	ssyncset.done $0x0  }
0x17: {  	s10 =	sadd.s32 $0x1000, s9;
	[sflag:s8] =	ssyncadd.s32 $0xFFFF8000  }
0x18: {  	[hbm4b:s10+s3] =	stream.linear.scatter [tilespmem:s7], [sflag:$0x2], $0x8000, $0x38;
	[tilespmem:$0x8100] =	vst v63  }
0x19: {  	_ =	swait.ge [sflag:s4], $0x8000  }
0x1a: {  	[sflag:s4] =	ssyncset.done $0x0  }
0x1b: {  	s11 =	simm.s32 $0x80;
	[sflag:s4] =	ssyncadd.s32 $0xFFFF8000  }
0x1c: {  	[tilespmem:s7], [sflag:$0x1] =	stream.indirect.gather [hbm4b:s1+s6], $0x200, s11, s6, $0xb8;
	[tilespmem:$0x8100] =	vst v63  }
0x1d: {  	_ =	swait.ge [sflag:s8], $0x8000  }
0x1e: {  	[sflag:s8] =	ssyncset.done $0x0  }
0x1f: {  	s14 =	ssub.s32 $0x2, s13;
	s12 =	sadd.s32 $0x2000, s9;
	[sflag:s8] =	ssyncadd.s32 $0xFFFF8000  }
0x20: {  	[hbm4b:s12+s3] =	stream.linear.scatter [tilespmem:s7], [sflag:$0x2], $0x8000, $0x38;
	[tilespmem:$0x8100] =	vst v63  }
0x21: {  	s15 =	sshrl.u32 s14, $0x1;
	_ =	swait.ge [sflag:s4], $0x8000  }
0x22: {  	s15 =	ssub.s32 s14, s15;
	[sflag:s4] =	ssyncset.done $0x0  }
0x23: {  	s13 =	simm.s32 $0xC0;
	s15 =	smax.u32 s15, $0x1;
	[sflag:s4] =	ssyncadd.s32 $0xFFFF8000  }
0x24: {  	[tilespmem:s7], [sflag:$0x1] =	stream.indirect.gather [hbm4b:s1+s6], $0x200, s13, s6, $0xb8;
	[tilespmem:$0x8100] =	vst v63  }
0x25: {  	p0 =	sne.s32 s15, $0x1;
	_ =	swait.ge [sflag:s8], $0x8000  }
.Ltmp0:
0x26: {  	[sflag:s8] =	ssyncset.done $0x0;
	(pc) =	sbr.rel @!p0 .LBB2_2-.Ltmp0, $4  }
0x27: {  	s14 =	sadd.s32 $0x3000, s9;
	[sflag:s8] =	ssyncadd.s32 $0xFFFF8000  }
0x28: {  	[hbm4b:s14+s3] =	stream.linear.scatter [tilespmem:s7], [sflag:$0x2], $0x8000, $0x38;
	[tilespmem:$0x8100] =	vst v63  }
0x29: {  	_ =	swait.ge [sflag:s4], $0x8000  }
0x2a: {  	s15 =	sadd.s32 $0xFFFFFFFF, s15;
	[sflag:s4] =	ssyncset.done $0x0  }
.LBB2_1:
0x2b: {  	p0 =	sne.s32 s15, $0x1;
	s15 =	sadd.s32 $0xFFFFFFFF, s15;
	[sflag:s4] =	ssyncadd.s32 $0xFFFF8000  }
0x2c: {  	[tilespmem:s3], [sflag:$0x2] =	stream.linear.gather [hbm4b:s5+s3], $0x100, $0x38;
	[tilespmem:$0x8100] =	vst v63  }
0x2d: {  	_ =	swait.ge [sflag:s4], $0x100  }
0x2e: {  	[sflag:s4] =	ssyncset.done $0x0  }
0x2f: {  	[sflag:s4] =	ssyncadd.s32 $0xFFFFFF00  }
0x30: {  	[tilespmem:s7], [sflag:$0x1] =	stream.indirect.gather [hbm4b:s1+s6], $0x200, s3, s6, $0xb8;
	[tilespmem:$0x8100] =	vst v63  }
0x31: {  	_ =	swait.ge [sflag:s8], $0x8000  }
0x32: {  	[sflag:s8] =	ssyncset.done $0x0  }
0x33: {  	[sflag:s8] =	ssyncadd.s32 $0xFFFF8000  }
0x34: {  	[hbm4b:s9+s3] =	stream.linear.scatter [tilespmem:s7], [sflag:$0x2], $0x8000, $0x38;
	[tilespmem:$0x8100] =	vst v63  }
0x35: {  	_ =	swait.ge [sflag:s4], $0x8000  }
0x36: {  	[sflag:s4] =	ssyncset.done $0x0  }
0x37: {  	[sflag:s4] =	ssyncadd.s32 $0xFFFF8000  }
0x38: {  	[tilespmem:s7], [sflag:$0x1] =	stream.indirect.gather [hbm4b:s1+s6], $0x200, s6, s6, $0xb8;
	[tilespmem:$0x8100] =	vst v63  }
0x39: {  	_ =	swait.ge [sflag:s8], $0x8000  }
0x3a: {  	[sflag:s8] =	ssyncset.done $0x0  }
0x3b: {  	[sflag:s8] =	ssyncadd.s32 $0xFFFF8000  }
0x3c: {  	[hbm4b:s10+s3] =	stream.linear.scatter [tilespmem:s7], [sflag:$0x2], $0x8000, $0x38;
	[tilespmem:$0x8100] =	vst v63  }
0x3d: {  	_ =	swait.ge [sflag:s4], $0x8000  }
0x3e: {  	[sflag:s4] =	ssyncset.done $0x0  }
0x3f: {  	[sflag:s4] =	ssyncadd.s32 $0xFFFF8000  }
0x40: {  	[tilespmem:s7], [sflag:$0x1] =	stream.indirect.gather [hbm4b:s1+s6], $0x200, s11, s6, $0xb8;
	[tilespmem:$0x8100] =	vst v63  }
0x41: {  	_ =	swait.ge [sflag:s8], $0x8000  }
0x42: {  	[sflag:s8] =	ssyncset.done $0x0  }
0x43: {  	[sflag:s8] =	ssyncadd.s32 $0xFFFF8000  }
0x44: {  	[hbm4b:s12+s3] =	stream.linear.scatter [tilespmem:s7], [sflag:$0x2], $0x8000, $0x38;
	[tilespmem:$0x8100] =	vst v63  }
0x45: {  	_ =	swait.ge [sflag:s4], $0x8000  }
0x46: {  	[sflag:s4] =	ssyncset.done $0x0  }
0x47: {  	[sflag:s4] =	ssyncadd.s32 $0xFFFF8000  }
0x48: {  	[tilespmem:s7], [sflag:$0x1] =	stream.indirect.gather [hbm4b:s1+s6], $0x200, s13, s6, $0xb8;
	[tilespmem:$0x8100] =	vst v63  }
0x49: {  	_ =	swait.ge [sflag:s8], $0x8000  }
.Ltmp1:
0x4a: {  	[sflag:s8] =	ssyncset.done $0x0;
	(pc) =	sbr.rel @p0 .LBB2_1-.Ltmp1, $4  }
0x4b: {  	[sflag:s8] =	ssyncadd.s32 $0xFFFF8000  }
0x4c: {  	[hbm4b:s14+s3] =	stream.linear.scatter [tilespmem:s7], [sflag:$0x2], $0x8000, $0x38;
	[tilespmem:$0x8100] =	vst v63  }
0x4d: {  	_ =	swait.ge [sflag:s4], $0x8000  }
0x4e: {  	[sflag:s4] =	ssyncset.done $0x0  }
.LBB2_2:
0x4f: {  	[sflag:s4] =	ssyncadd.s32 $0xFFFF8000  }
0x50: {  	_ =	sfence.sel $0x180000  }
0x51: {  	[bflag:$0x0] =	sbarrier.arrive $0xFFFF  }
0x52: {  	p0 =	sne.s32 s0, $0x0;
	_ =	strace $0x90000047  }
0x53: {  	s0 =	sadd.s32 @!p0 $0x100000, s2;
	[bflag:$0x2] =	sbarrier.arrive $0xFFFF  }
0x54: {  	[sflag:s0] =	ssyncadd.tile.s32 @!p0 $0x1;
	_ =	shalt  }
.Lfunc_end2:
_tile_overlayer_lowered:
.L_overlay_start_2:
0x55: {  	(tag) =	ssettag $0x2  }
0x56: {  	s0 =	rddreg [dreg:$0x0];
	s2 =	stileid.u32  }
0x57: {  	s1 =	rddreg [dreg:$0x1];
	p0 =	sne.s32 s2, $0x0  }
0x58: {  	s3 =	rddreg [dreg:$0x2];
	[bflag:$0x3] =	sbarrier.arrive $0xFFFF;
	s2 =	simm.s32 @!p0 $0x1C02  }
0x59: {  	[timem:s3], [sflag:s2] =	dma.local @!p0 [hbm:s0], s1  }
0x5a: {  	s0 =	simm.s32 @!p0 $0x2  }
0x5b: {  	_ =	swait.ge @!p0 [sflag:s0], s1  }
0x5c: {  	s1 =	ssub.s32 @!p0 $0x0, s1;
	[sflag:s0] =	ssyncset.done @!p0 $0x0  }
0x5d: {  	[sflag:s0] =	ssyncadd.s32 @!p0 s1  }
0x5e: {  	[bflag:$0x3] =	sbarrier.arrive $0xFFFF  }
0x5f: {  	_ =	shalt  }

</sc_bundles>
